<compile_context>
chip_gen: v7x
topology: tpu7x:2x2x1
jax: 0.10.2.dev20260603
libtpu: 0.0.44.dev20260713+nightly
codegen_flags: <defaults>
</compile_context>

<pallas_src>
import functools

import jax
import jax.numpy as jnp
from jax import lax
from jax.experimental import pallas as pl
from jax.experimental.pallas import tpu as pltpu
from jax.experimental.pallas import tpu_sc as plsc

_NC = 2
_NS = 16
_LANES = 16


def _sc_targets_body(gt_hbm, out_hbm, gtv, buf, dma_sem):
    wid = lax.axis_index("s") * _NC + lax.axis_index("c")
    b = wid // 2
    half = wid % 2
    F = out_hbm.shape[2]
    half_f = F // 2
    fbase = half * half_f
    n_gt = gt_hbm.shape[1] // 2

    pltpu.sync_copy(gt_hbm.at[b], gtv)

    gvecs = [gtv[pl.ds(k * _LANES, _LANES)]
             for k in range((2 * n_gt) // _LANES)]
    s_sc = []
    e_sc = []
    for n in range(n_gt):
        k, i = divmod(2 * n, _LANES)
        s_sc.append(jnp.clip(gvecs[k][i], 0.0, 1.0))
        e_sc.append(jnp.clip(gvecs[k][i + 1], 0.0, 1.0))

    tot_len = jnp.float32(0.0)
    for n in range(n_gt):
        tot_len = tot_len + jnp.maximum(e_sc[n] - s_sc[n], 0.0)
    ns_f = jnp.where(tot_len > 0.0, jnp.float32(1.0), jnp.float32(0.0))

    inv_f = 1.0 / F

    def body_j(j, _):
        f0 = fbase + j * _LANES
        fvec = (lax.iota(jnp.int32, _LANES) + f0).astype(jnp.float32)
        left = fvec * inv_f
        right = left + inv_f

        neg = jnp.full((_LANES,), -1.0, jnp.float32)
        zero = jnp.zeros((_LANES,), jnp.float32)
        v1, v2, v3 = neg, neg, neg
        s1 = s2 = s3 = zero
        e1 = e2 = e3 = zero
        for n in range(n_gt):
            s_n = s_sc[n]
            e_n = e_sc[n]
            o = jnp.maximum(
                jnp.minimum(e_n, right) - jnp.maximum(s_n, left), 0.0)
            c1 = o > v1
            c2 = o > v2
            c3 = o > v3
            sv = jnp.full((_LANES,), s_n, jnp.float32)
            ev = jnp.full((_LANES,), e_n, jnp.float32)
            v3 = jnp.where(c3, jnp.where(c2, v2, o), v3)
            s3 = jnp.where(c3, jnp.where(c2, s2, sv), s3)
            e3 = jnp.where(c3, jnp.where(c2, e2, ev), e3)
            v2 = jnp.where(c2, jnp.where(c1, v1, o), v2)
            s2 = jnp.where(c2, jnp.where(c1, s1, sv), s2)
            e2 = jnp.where(c2, jnp.where(c1, e1, ev), e2)
            v1 = jnp.where(c1, o, v1)
            s1 = jnp.where(c1, sv, s1)
            e1 = jnp.where(c1, ev, e1)

        one = jnp.ones((_LANES,), jnp.float32)
        sl = pl.ds(j * _LANES, _LANES)
        for p, (vp, sp_, ep) in enumerate(
                ((v1, s1, e1), (v2, s2, e2), (v3, s3, e3))):
            zp = jnp.where(vp > 0.0, one, zero) * ns_f
            buf[p, sl] = zp
            buf[3 + p, sl] = sp_ * ns_f
            buf[6 + p, sl] = ep * ns_f
        return 0

    lax.fori_loop(0, 1, body_j, 0)

    pltpu.async_copy(buf, out_hbm.at[b, :, pl.ds(fbase, half_f)],
                     dma_sem).wait()


def _sc_targets(gt_boxes, B, F):
    mesh = plsc.VectorSubcoreMesh(core_axis_name="c", subcore_axis_name="s")
    n_gt = gt_boxes.shape[1]
    run = pl.kernel(
        _sc_targets_body,
        mesh=mesh,
        out_type=jax.ShapeDtypeStruct((B, 9, F), jnp.float32),
        scratch_types=[
            pltpu.VMEM((2 * n_gt,), jnp.float32),
            pltpu.VMEM((9, F // 2), jnp.float32),
            pltpu.SemaphoreType.DMA,
        ],
    )
    return run(gt_boxes.reshape(gt_boxes.shape[0], 2 * n_gt))


def _loss_block(ps_ref, pe_ref, pc_ref, tgt_ref, out_ref):
    b = pl.program_id(0)
    _, Pp, _, T, F = ps_ref.shape

    main_b = jnp.float32(0.0)
    npos_b = jnp.float32(0.0)
    for p in range(Pp):
        z = tgt_ref[0, p:p + 1, :]
        ts = tgt_ref[0, 3 + p:4 + p, :]
        te = tgt_ref[0, 6 + p:7 + p, :]
        rw = 5.0 * z
        aw = 0.5 + 0.5 * z

        ps = ps_ref[0, p, 0]
        pe = pe_ref[0, p, 0]
        pc = pc_ref[0, p, 0]
        d1 = jnp.abs(ps - ts)
        m1 = jnp.minimum(d1, 1.0)
        d2 = jnp.abs(pe - te)
        m2 = jnp.minimum(d2, 1.0)
        sl = m1 * (d1 - 0.5 * m1) + m2 * (d2 - 0.5 * m2)
        sp = jnp.maximum(pc, 0.0) + jnp.log1p(jnp.exp(-jnp.abs(pc)))
        contrib = rw * sl + aw * sp - z * pc
        main_b += jnp.sum(contrib)
        npos_b += jnp.float32(T) * jnp.sum(z)

    blk = jnp.concatenate(
        [jnp.full((1, 128), main_b, jnp.float32),
         jnp.full((1, 128), npos_b, jnp.float32),
         jnp.zeros((6, 128), jnp.float32)], axis=0)

    @pl.when(b == 0)
    def _():
        out_ref[...] = blk

    @pl.when(b != 0)
    def _():
        out_ref[...] = out_ref[...] + blk


@functools.partial(jax.jit, static_argnames=())
def kernel(raw_preds, gt_boxes):
    B, Pp, C, T, F = raw_preds.shape
    targets = _sc_targets(gt_boxes, B, F)
    return jnp.sum(targets)
    out = pl.pallas_call(
        _loss_block,
        grid=(B,),
        in_specs=[
            pl.BlockSpec((1, Pp, 1, T, F), lambda b: (b, 0, 0, 0, 0)),
            pl.BlockSpec((1, Pp, 1, T, F), lambda b: (b, 0, 1, 0, 0)),
            pl.BlockSpec((1, Pp, 1, T, F), lambda b: (b, 0, 2, 0, 0)),
            pl.BlockSpec((1, 9, F), lambda b: (b, 0, 0)),
        ],
        out_specs=pl.BlockSpec((8, 128), lambda b: (0, 0)),
        out_shape=jax.ShapeDtypeStruct((8, 128), jnp.float32),
    )(raw_preds, raw_preds, raw_preds, targets)
    main = out[0, 0]
    n_pos = out[1, 0]
    return main / jnp.maximum(n_pos, 1.0)

# --- scband reference (transcript-rebuilt; emitter-appended) ---
"""Pipeline reference for scband-freq-detection-loss-75952201662768 (READ-ONLY COPY).

The authoritative reference and input builder live on the scoring server;
editing this copy changes nothing except your own understanding.
"""

import jax, jax.numpy as jnp
import numpy as np

P = 3
LAMBDA_COORD = 5.0
NOOBJ_WEIGHT = 0.5


def setup_inputs(seed: int = 0) -> dict:
    key = jax.random.key(seed)
    k1, k2 = jax.random.split(key)
    raw_preds = jax.random.normal(k1, (16, 3, 3, 64, 512), dtype=jnp.float32)
    gt_boxes = jax.random.uniform(k2, (16, 32, 2), dtype=jnp.float32)
    return {"raw_preds": raw_preds, "gt_boxes": gt_boxes}


def _build_targets_no_time(gt_boxes, P, F):
    # Vectorized JAX port of build_targets_freq_vectorized_no_time (clip=True).
    B, N, _ = gt_boxes.shape
    starts = jnp.clip(gt_boxes[:, :, 0].astype(jnp.float32), 0.0, 1.0)
    stops = jnp.clip(gt_boxes[:, :, 1].astype(jnp.float32), 0.0, 1.0)
    cell_idx = jnp.arange(F, dtype=jnp.float32)
    cell_left = cell_idx / float(F)
    cell_right = (cell_idx + 1.0) / float(F)
    # overlap between every GT interval and every freq cell: (B, N, F)
    overlap = jnp.clip(
        jnp.minimum(stops[:, :, None], cell_right[None, None, :])
        - jnp.maximum(starts[:, :, None], cell_left[None, None, :]),
        0.0,
    )
    k = min(P, N)
    # top-k over GT dimension per (batch, cell)
    ov_t = jnp.transpose(overlap, (0, 2, 1))  # (B, F, N)
    topv, topi = jax.lax.top_k(ov_t, k)  # (B, F, k)
    g_starts = jnp.take_along_axis(jnp.broadcast_to(starts[:, None, :], (B, F, N)), topi, axis=2)
    g_stops = jnp.take_along_axis(jnp.broadcast_to(stops[:, None, :], (B, F, N)), topi, axis=2)
    f_starts = jnp.transpose(g_starts, (0, 2, 1))  # (B, k, F)
    f_stops = jnp.transpose(g_stops, (0, 2, 1))
    conf = jnp.transpose((topv > 0.0).astype(jnp.float32), (0, 2, 1))
    if k < P:
        pad = jnp.zeros((B, P - k, F), dtype=jnp.float32)
        f_starts = jnp.concatenate([f_starts, pad], axis=1)
        f_stops = jnp.concatenate([f_stops, pad], axis=1)
        conf = jnp.concatenate([conf, pad], axis=1)
    # torch code skips batch entries whose total overlap is zero
    skip = (jnp.sum(overlap, axis=(1, 2)) == 0.0)[:, None, None]
    f_starts = jnp.where(skip, 0.0, f_starts)
    f_stops = jnp.where(skip, 0.0, f_stops)
    conf = jnp.where(skip, 0.0, conf)
    pos_mask = conf == 1.0
    return f_starts, f_stops, conf, pos_mask


def _smooth_l1(x, y):
    d = jnp.abs(x - y)
    return jnp.where(d < 1.0, 0.5 * d * d, d - 0.5)


def _bce_with_logits(x, z):
    return jnp.maximum(x, 0.0) - x * z + jnp.log1p(jnp.exp(-jnp.abs(x)))


def _loss(raw_preds, gt_boxes):
    B, Pp, _, T, F = raw_preds.shape
    ts, tp, tc, pm = _build_targets_no_time(gt_boxes, P, F)
    # broadcast no-time targets across T (temporal_agg == 'none')
    tgt_start = jnp.broadcast_to(ts[:, :, None, :], (B, Pp, T, F))
    tgt_stop = jnp.broadcast_to(tp[:, :, None, :], (B, Pp, T, F))
    tgt_conf = jnp.broadcast_to(tc[:, :, None, :], (B, Pp, T, F))
    pos_mask_t = jnp.broadcast_to(pm[:, :, None, :], (B, Pp, T, F))
    pred_start = raw_preds[:, :, 0, :, :]
    pred_stop = raw_preds[:, :, 1, :, :]
    pred_conf_logits = raw_preds[:, :, 2, :, :]
    n_pos = jnp.sum(pos_mask_t.astype(jnp.float32))
    reg_loss_start = jnp.sum(jnp.where(pos_mask_t, _smooth_l1(pred_start, tgt_start), 0.0))
    reg_loss_stop = jnp.sum(jnp.where(pos_mask_t, _smooth_l1(pred_stop, tgt_stop), 0.0))
    reg_loss = jnp.where(n_pos > 0.0, reg_loss_start + reg_loss_stop, 0.0)
    bce = _bce_with_logits(pred_conf_logits, tgt_conf)
    conf_w = jnp.where(pos_mask_t, 1.0, NOOBJ_WEIGHT)
    conf_loss = jnp.sum(bce * conf_w)
    denom = jnp.maximum(n_pos, 1.0)
    total = (LAMBDA_COORD * reg_loss + conf_loss) / denom
    return total


def reference(raw_preds, gt_boxes):
    return _loss(raw_preds, gt_boxes)

if __name__ == "__main__":
    import jax
    _d = setup_inputs()
    print(jax.jit(kernel)(*tuple(_d.values())))

</pallas_src>

<mosaic_0001>
#map = affine_map<(d0, d1) -> (0, 0)>
#map1 = affine_map<(d0, d1) -> (0, 0, 0)>
module attributes {stable_mosaic.version = 14 : i64} {
  func.func @_sc_targets_body(%arg0: i32, %arg1: i32, %arg2: memref<16x64xf32, #tpu.memory_space<hbm>>, %arg3: memref<16x9x512xf32, #tpu.memory_space<hbm>>, %arg4: memref<64xf32, #tpu.memory_space<vmem>>, %arg5: memref<9x256xf32, #tpu.memory_space<vmem>>, %arg6: memref<!tpu.dma_semaphore, #tpu.memory_space<semaphore_mem>>) attributes {dimension_semantics = [#tpu.dimension_semantics<core_parallel>, #tpu.dimension_semantics<subcore_parallel>], iteration_bounds = array<i64: 2, 16>, scalar_prefetch = 0 : i64, scratch_operands = 3 : i64, tpu.core_type = #tpu.core_type<sc_vector_subcore>, window_params = [{transform_indices = #map}, {transform_indices = #map1}]} {
    %mul3A = arith.constant 2 : i32
    %mul3A_0 = arith.muli %arg1, %mul3A : i32
    %add3A = arith.addi %mul3A_0, %arg0 : i32
    %jit3A = arith.constant 2 : i32
    %div3A = arith.divsi %add3A, %jit3A : i32
    %sign3A = arith.constant 0 : i32
    %sign3A_1 = arith.cmpi sgt, %add3A, %sign3A : i32
    %sign3A_2 = arith.extui %sign3A_1 : i1 to i32
    %sign3A_3 = arith.constant 0 : i32
    %sign3A_4 = arith.cmpi slt, %add3A, %sign3A_3 : i32
    %sign3A_5 = arith.extui %sign3A_4 : i1 to i32
    %sign3A_6 = arith.subi %sign3A_2, %sign3A_5 : i32
    %sign3A_7 = arith.constant 0 : i32
    %sign3A_8 = arith.cmpi sgt, %jit3A, %sign3A_7 : i32
    %sign3A_9 = arith.extui %sign3A_8 : i1 to i32
    %sign3A_10 = arith.constant 0 : i32
    %sign3A_11 = arith.cmpi slt, %jit3A, %sign3A_10 : i32
    %sign3A_12 = arith.extui %sign3A_11 : i1 to i32
    %sign3A_13 = arith.subi %sign3A_9, %sign3A_12 : i32
    %ne3A = arith.cmpi ne, %sign3A_6, %sign3A_13 : i32
    %rem3A = arith.remsi %add3A, %jit3A : i32
    %ne3A_14 = arith.constant 0 : i32
    %ne3A_15 = arith.cmpi ne, %rem3A, %ne3A_14 : i32
    %and3A = arith.andi %ne3A, %ne3A_15 : i1
    %sub3A = arith.constant 1 : i32
    %sub3A_16 = arith.subi %div3A, %sub3A : i32
    %select_n3A = arith.select %and3A, %sub3A_16, %div3A : i32
    %jit3A_17 = arith.constant 2 : i32
    %eq3A = arith.constant 0 : i32
    %eq3A_18 = arith.cmpi eq, %jit3A_17, %eq3A : i32
    %jit3A_19 = arith.constant 1 : i32
    %select_n3A_20 = arith.select %eq3A_18, %jit3A_19, %jit3A_17 : i32
    %rem3A_21 = arith.remsi %add3A, %select_n3A_20 : i32
    %ne3A_22 = arith.constant 0 : i32
    %ne3A_23 = arith.cmpi ne, %rem3A_21, %ne3A_22 : i32
    %lt3A = arith.constant 0 : i32
    %lt3A_24 = arith.cmpi slt, %rem3A_21, %lt3A : i32
    %lt3A_25 = arith.constant 0 : i32
    %lt3A_26 = arith.cmpi slt, %select_n3A_20, %lt3A_25 : i32
    %ne3A_27 = arith.xori %lt3A_24, %lt3A_26 : i1
    %and3A_28 = arith.andi %ne3A_27, %ne3A_23 : i1
    %add3A_29 = arith.addi %rem3A_21, %select_n3A_20 : i32
    %select_n3A_30 = arith.select %and3A_28, %add3A_29, %rem3A_21 : i32
    %mul3A_31 = arith.constant 256 : i32
    %mul3A_32 = arith.muli %select_n3A_30, %mul3A_31 : i32
    "tpu.region"() ({
      %run_scoped3A = tpu.sem_alloc : memref<!tpu.dma_semaphore, #tpu.memory_space<semaphore_mem>>
      %dma_start3A_1567 = arith.constant 0 : i32
      %dma_start3A_1568 = tpu.memref_slice %arg2[%select_n3A, %dma_start3A_1567] : memref<16x64xf32, #tpu.memory_space<hbm>> -> memref<1x64xf32, #tpu.memory_space<hbm>>
      %dma_start3A_1569 = tpu.memref_squeeze %dma_start3A_1568 : memref<1x64xf32, #tpu.memory_space<hbm>> -> memref<64xf32, #tpu.memory_space<hbm>>
      %dma_start3A_1570 = arith.constant 0 : i32
      %dma_start3A_1571 = tpu.memref_slice %arg2[%select_n3A, %dma_start3A_1570] : memref<16x64xf32, #tpu.memory_space<hbm>> -> memref<1x64xf32, #tpu.memory_space<hbm>>
      %dma_start3A_1572 = tpu.memref_squeeze %dma_start3A_1571 : memref<1x64xf32, #tpu.memory_space<hbm>> -> memref<64xf32, #tpu.memory_space<hbm>>
      tpu.enqueue_dma source(%dma_start3A_1572 : memref<64xf32, #tpu.memory_space<hbm>>) target(%arg4 : memref<64xf32, #tpu.memory_space<vmem>>) target_semaphore(%run_scoped3A : memref<!tpu.dma_semaphore, #tpu.memory_space<semaphore_mem>>)
      %dma_wait3A_1573 = arith.constant 0 : i32
      %dma_wait3A_1574 = tpu.memref_slice %arg2[%select_n3A, %dma_wait3A_1573] : memref<16x64xf32, #tpu.memory_space<hbm>> -> memref<1x64xf32, #tpu.memory_space<hbm>>
      %dma_wait3A_1575 = tpu.memref_squeeze %dma_wait3A_1574 : memref<1x64xf32, #tpu.memory_space<hbm>> -> memref<64xf32, #tpu.memory_space<hbm>>
      %dma_wait3A_1576 = arith.constant 0 : i32
      %dma_wait3A_1577 = tpu.memref_slice %arg2[%select_n3A, %dma_wait3A_1576] : memref<16x64xf32, #tpu.memory_space<hbm>> -> memref<1x64xf32, #tpu.memory_space<hbm>>
      %dma_wait3A_1578 = tpu.memref_squeeze %dma_wait3A_1577 : memref<1x64xf32, #tpu.memory_space<hbm>> -> memref<64xf32, #tpu.memory_space<hbm>>
      tpu.wait_dma2 semaphore(%run_scoped3A : memref<!tpu.dma_semaphore, #tpu.memory_space<semaphore_mem>>) src(%dma_wait3A_1578 : memref<64xf32, #tpu.memory_space<hbm>>) dst(%arg4 : memref<64xf32, #tpu.memory_space<vmem>>)
      tpu.yield
    }) : () -> ()
    %get3A = arith.constant 0 : index
    %get3A_33 = tpu.vector_load %arg4[%get3A] {strides = array<i32>} : memref<64xf32, #tpu.memory_space<vmem>>, vector<16xf32>,
    %get3A_34 = vector.shape_cast %get3A_33 : vector<16xf32> to vector<16xf32>
    %get3A_35 = arith.constant 16 : index
    %get3A_36 = tpu.vector_load %arg4[%get3A_35] {strides = array<i32>} : memref<64xf32, #tpu.memory_space<vmem>>, vector<16xf32>,
    %get3A_37 = vector.shape_cast %get3A_36 : vector<16xf32> to vector<16xf32>
    %get3A_38 = arith.constant 32 : index
    %get3A_39 = tpu.vector_load %arg4[%get3A_38] {strides = array<i32>} : memref<64xf32, #tpu.memory_space<vmem>>, vector<16xf32>,
    %get3A_40 = vector.shape_cast %get3A_39 : vector<16xf32> to vector<16xf32>
    %get3A_41 = arith.constant 48 : index
    %get3A_42 = tpu.vector_load %arg4[%get3A_41] {strides = array<i32>} : memref<64xf32, #tpu.memory_space<vmem>>, vector<16xf32>,
    %get3A_43 = vector.shape_cast %get3A_42 : vector<16xf32> to vector<16xf32>
    %slice3A = vector.extract_strided_slice %get3A_34 {offsets = [0], sizes = [1], strides = [1]} : vector<16xf32> to vector<1xf32>
    %squeeze3A = vector.extract %slice3A[0] : f32 from vector<1xf32>
    %jit3A_44 = arith.constant 0.000000e+00 : f32
    %jit3A_45 = arith.constant 1.000000e+00 : f32
    %max3A = arith.maximumf %jit3A_44, %squeeze3A : f32
    %min3A = arith.minimumf %jit3A_45, %max3A : f32
    %slice3A_46 = vector.extract_strided_slice %get3A_34 {offsets = [1], sizes = [1], strides = [1]} : vector<16xf32> to vector<1xf32>
    %squeeze3A_47 = vector.extract %slice3A_46[0] : f32 from vector<1xf32>
    %jit3A_48 = arith.constant 0.000000e+00 : f32
    %jit3A_49 = arith.constant 1.000000e+00 : f32
    %max3A_50 = arith.maximumf %jit3A_48, %squeeze3A_47 : f32
    %min3A_51 = arith.minimumf %jit3A_49, %max3A_50 : f32
    %slice3A_52 = vector.extract_strided_slice %get3A_34 {offsets = [2], sizes = [1], strides = [1]} : vector<16xf32> to vector<1xf32>
    %squeeze3A_53 = vector.extract %slice3A_52[0] : f32 from vector<1xf32>
    %jit3A_54 = arith.constant 0.000000e+00 : f32
    %jit3A_55 = arith.constant 1.000000e+00 : f32
    %max3A_56 = arith.maximumf %jit3A_54, %squeeze3A_53 : f32
    %min3A_57 = arith.minimumf %jit3A_55, %max3A_56 : f32
    %slice3A_58 = vector.extract_strided_slice %get3A_34 {offsets = [3], sizes = [1], strides = [1]} : vector<16xf32> to vector<1xf32>
    %squeeze3A_59 = vector.extract %slice3A_58[0] : f32 from vector<1xf32>
    %jit3A_60 = arith.constant 0.000000e+00 : f32
    %jit3A_61 = arith.constant 1.000000e+00 : f32
    %max3A_62 = arith.maximumf %jit3A_60, %squeeze3A_59 : f32
    %min3A_63 = arith.minimumf %jit3A_61, %max3A_62 : f32
    %slice3A_64 = vector.extract_strided_slice %get3A_34 {offsets = [4], sizes = [1], strides = [1]} : vector<16xf32> to vector<1xf32>
    %squeeze3A_65 = vector.extract %slice3A_64[0] : f32 from vector<1xf32>
    %jit3A_66 = arith.constant 0.000000e+00 : f32
    %jit3A_67 = arith.constant 1.000000e+00 : f32
    %max3A_68 = arith.maximumf %jit3A_66, %squeeze3A_65 : f32
    %min3A_69 = arith.minimumf %jit3A_67, %max3A_68 : f32
    %slice3A_70 = vector.extract_strided_slice %get3A_34 {offsets = [5], sizes = [1], strides = [1]} : vector<16xf32> to vector<1xf32>
    %squeeze3A_71 = vector.extract %slice3A_70[0] : f32 from vector<1xf32>
    %jit3A_72 = arith.constant 0.000000e+00 : f32
    %jit3A_73 = arith.constant 1.000000e+00 : f32
    %max3A_74 = arith.maximumf %jit3A_72, %squeeze3A_71 : f32
    %min3A_75 = arith.minimumf %jit3A_73, %max3A_74 : f32
    %slice3A_76 = vector.extract_strided_slice %get3A_34 {offsets = [6], sizes = [1], strides = [1]} : vector<16xf32> to vector<1xf32>
    %squeeze3A_77 = vector.extract %slice3A_76[0] : f32 from vector<1xf32>
    %jit3A_78 = arith.constant 0.000000e+00 : f32
    %jit3A_79 = arith.constant 1.000000e+00 : f32
    %max3A_80 = arith.maximumf %jit3A_78, %squeeze3A_77 : f32
    %min3A_81 = arith.minimumf %jit3A_79, %max3A_80 : f32
    %slice3A_82 = vector.extract_strided_slice %get3A_34 {offsets = [7], sizes = [1], strides = [1]} : vector<16xf32> to vector<1xf32>
    %squeeze3A_83 = vector.extract %slice3A_82[0] : f32 from vector<1xf32>
    %jit3A_84 = arith.constant 0.000000e+00 : f32
    %jit3A_85 = arith.constant 1.000000e+00 : f32
    %max3A_86 = arith.maximumf %jit3A_84, %squeeze3A_83 : f32
    %min3A_87 = arith.minimumf %jit3A_85, %max3A_86 : f32
    %slice3A_88 = vector.extract_strided_slice %get3A_34 {offsets = [8], sizes = [1], strides = [1]} : vector<16xf32> to vector<1xf32>
    %squeeze3A_89 = vector.extract %slice3A_88[0] : f32 from vector<1xf32>
    %jit3A_90 = arith.constant 0.000000e+00 : f32
    %jit3A_91 = arith.constant 1.000000e+00 : f32
    %max3A_92 = arith.maximumf %jit3A_90, %squeeze3A_89 : f32
    %min3A_93 = arith.minimumf %jit3A_91, %max3A_92 : f32
    %slice3A_94 = vector.extract_strided_slice %get3A_34 {offsets = [9], sizes = [1], strides = [1]} : vector<16xf32> to vector<1xf32>
    %squeeze3A_95 = vector.extract %slice3A_94[0] : f32 from vector<1xf32>
    %jit3A_96 = arith.constant 0.000000e+00 : f32
    %jit3A_97 = arith.constant 1.000000e+00 : f32
    %max3A_98 = arith.maximumf %jit3A_96, %squeeze3A_95 : f32
    %min3A_99 = arith.minimumf %jit3A_97, %max3A_98 : f32
    %slice3A_100 = vector.extract_strided_slice %get3A_34 {offsets = [10], sizes = [1], strides = [1]} : vector<16xf32> to vector<1xf32>
    %squeeze3A_101 = vector.extract %slice3A_100[0] : f32 from vector<1xf32>
    %jit3A_102 = arith.constant 0.000000e+00 : f32
    %jit3A_103 = arith.constant 1.000000e+00 : f32
    %max3A_104 = arith.maximumf %jit3A_102, %squeeze3A_101 : f32
    %min3A_105 = arith.minimumf %jit3A_103, %max3A_104 : f32
    %slice3A_106 = vector.extract_strided_slice %get3A_34 {offsets = [11], sizes = [1], strides = [1]} : vector<16xf32> to vector<1xf32>
    %squeeze3A_107 = vector.extract %slice3A_106[0] : f32 from vector<1xf32>
    %jit3A_108 = arith.constant 0.000000e+00 : f32
    %jit3A_109 = arith.constant 1.000000e+00 : f32
    %max3A_110 = arith.maximumf %jit3A_108, %squeeze3A_107 : f32
    %min3A_111 = arith.minimumf %jit3A_109, %max3A_110 : f32
    %slice3A_112 = vector.extract_strided_slice %get3A_34 {offsets = [12], sizes = [1], strides = [1]} : vector<16xf32> to vector<1xf32>
    %squeeze3A_113 = vector.extract %slice3A_112[0] : f32 from vector<1xf32>
    %jit3A_114 = arith.constant 0.000000e+00 : f32
    %jit3A_115 = arith.constant 1.000000e+00 : f32
    %max3A_116 = arith.maximumf %jit3A_114, %squeeze3A_113 : f32
    %min3A_117 = arith.minimumf %jit3A_115, %max3A_116 : f32
    %slice3A_118 = vector.extract_strided_slice %get3A_34 {offsets = [13], sizes = [1], strides = [1]} : vector<16xf32> to vector<1xf32>
    %squeeze3A_119 = vector.extract %slice3A_118[0] : f32 from vector<1xf32>
    %jit3A_120 = arith.constant 0.000000e+00 : f32
    %jit3A_121 = arith.constant 1.000000e+00 : f32
    %max3A_122 = arith.maximumf %jit3A_120, %squeeze3A_119 : f32
    %min3A_123 = arith.minimumf %jit3A_121, %max3A_122 : f32
    %slice3A_124 = vector.extract_strided_slice %get3A_34 {offsets = [14], sizes = [1], strides = [1]} : vector<16xf32> to vector<1xf32>
    %squeeze3A_125 = vector.extract %slice3A_124[0] : f32 from vector<1xf32>
    %jit3A_126 = arith.constant 0.000000e+00 : f32
    %jit3A_127 = arith.constant 1.000000e+00 : f32
    %max3A_128 = arith.maximumf %jit3A_126, %squeeze3A_125 : f32
    %min3A_129 = arith.minimumf %jit3A_127, %max3A_128 : f32
    %slice3A_130 = vector.extract_strided_slice %get3A_34 {offsets = [15], sizes = [1], strides = [1]} : vector<16xf32> to vector<1xf32>
    %squeeze3A_131 = vector.extract %slice3A_130[0] : f32 from vector<1xf32>
    %jit3A_132 = arith.constant 0.000000e+00 : f32
    %jit3A_133 = arith.constant 1.000000e+00 : f32
    %max3A_134 = arith.maximumf %jit3A_132, %squeeze3A_131 : f32
    %min3A_135 = arith.minimumf %jit3A_133, %max3A_134 : f32
    %slice3A_136 = vector.extract_strided_slice %get3A_37 {offsets = [0], sizes = [1], strides = [1]} : vector<16xf32> to vector<1xf32>
    %squeeze3A_137 = vector.extract %slice3A_136[0] : f32 from vector<1xf32>
    %jit3A_138 = arith.constant 0.000000e+00 : f32
    %jit3A_139 = arith.constant 1.000000e+00 : f32
    %max3A_140 = arith.maximumf %jit3A_138, %squeeze3A_137 : f32
    %min3A_141 = arith.minimumf %jit3A_139, %max3A_140 : f32
    %slice3A_142 = vector.extract_strided_slice %get3A_37 {offsets = [1], sizes = [1], strides = [1]} : vector<16xf32> to vector<1xf32>
    %squeeze3A_143 = vector.extract %slice3A_142[0] : f32 from vector<1xf32>
    %jit3A_144 = arith.constant 0.000000e+00 : f32
    %jit3A_145 = arith.constant 1.000000e+00 : f32
    %max3A_146 = arith.maximumf %jit3A_144, %squeeze3A_143 : f32
    %min3A_147 = arith.minimumf %jit3A_145, %max3A_146 : f32
    %slice3A_148 = vector.extract_strided_slice %get3A_37 {offsets = [2], sizes = [1], strides = [1]} : vector<16xf32> to vector<1xf32>
    %squeeze3A_149 = vector.extract %slice3A_148[0] : f32 from vector<1xf32>
    %jit3A_150 = arith.constant 0.000000e+00 : f32
    %jit3A_151 = arith.constant 1.000000e+00 : f32
    %max3A_152 = arith.maximumf %jit3A_150, %squeeze3A_149 : f32
    %min3A_153 = arith.minimumf %jit3A_151, %max3A_152 : f32
    %slice3A_154 = vector.extract_strided_slice %get3A_37 {offsets = [3], sizes = [1], strides = [1]} : vector<16xf32> to vector<1xf32>
    %squeeze3A_155 = vector.extract %slice3A_154[0] : f32 from vector<1xf32>
    %jit3A_156 = arith.constant 0.000000e+00 : f32
    %jit3A_157 = arith.constant 1.000000e+00 : f32
    %max3A_158 = arith.maximumf %jit3A_156, %squeeze3A_155 : f32
    %min3A_159 = arith.minimumf %jit3A_157, %max3A_158 : f32
    %slice3A_160 = vector.extract_strided_slice %get3A_37 {offsets = [4], sizes = [1], strides = [1]} : vector<16xf32> to vector<1xf32>
    %squeeze3A_161 = vector.extract %slice3A_160[0] : f32 from vector<1xf32>
    %jit3A_162 = arith.constant 0.000000e+00 : f32
    %jit3A_163 = arith.constant 1.000000e+00 : f32
    %max3A_164 = arith.maximumf %jit3A_162, %squeeze3A_161 : f32
    %min3A_165 = arith.minimumf %jit3A_163, %max3A_164 : f32
    %slice3A_166 = vector.extract_strided_slice %get3A_37 {offsets = [5], sizes = [1], strides = [1]} : vector<16xf32> to vector<1xf32>
    %squeeze3A_167 = vector.extract %slice3A_166[0] : f32 from vector<1xf32>
    %jit3A_168 = arith.constant 0.000000e+00 : f32
    %jit3A_169 = arith.constant 1.000000e+00 : f32
    %max3A_170 = arith.maximumf %jit3A_168, %squeeze3A_167 : f32
    %min3A_171 = arith.minimumf %jit3A_169, %max3A_170 : f32
    %slice3A_172 = vector.extract_strided_slice %get3A_37 {offsets = [6], sizes = [1], strides = [1]} : vector<16xf32> to vector<1xf32>
    %squeeze3A_173 = vector.extract %slice3A_172[0] : f32 from vector<1xf32>
    %jit3A_174 = arith.constant 0.000000e+00 : f32
    %jit3A_175 = arith.constant 1.000000e+00 : f32
    %max3A_176 = arith.maximumf %jit3A_174, %squeeze3A_173 : f32
    %min3A_177 = arith.minimumf %jit3A_175, %max3A_176 : f32
    %slice3A_178 = vector.extract_strided_slice %get3A_37 {offsets = [7], sizes = [1], strides = [1]} : vector<16xf32> to vector<1xf32>
    %squeeze3A_179 = vector.extract %slice3A_178[0] : f32 from vector<1xf32>
    %jit3A_180 = arith.constant 0.000000e+00 : f32
    %jit3A_181 = arith.constant 1.000000e+00 : f32
    %max3A_182 = arith.maximumf %jit3A_180, %squeeze3A_179 : f32
    %min3A_183 = arith.minimumf %jit3A_181, %max3A_182 : f32
    %slice3A_184 = vector.extract_strided_slice %get3A_37 {offsets = [8], sizes = [1], strides = [1]} : vector<16xf32> to vector<1xf32>
    %squeeze3A_185 = vector.extract %slice3A_184[0] : f32 from vector<1xf32>
    %jit3A_186 = arith.constant 0.000000e+00 : f32
    %jit3A_187 = arith.constant 1.000000e+00 : f32
    %max3A_188 = arith.maximumf %jit3A_186, %squeeze3A_185 : f32
    %min3A_189 = arith.minimumf %jit3A_187, %max3A_188 : f32
    %slice3A_190 = vector.extract_strided_slice %get3A_37 {offsets = [9], sizes = [1], strides = [1]} : vector<16xf32> to vector<1xf32>
    %squeeze3A_191 = vector.extract %slice3A_190[0] : f32 from vector<1xf32>
    %jit3A_192 = arith.constant 0.000000e+00 : f32
    %jit3A_193 = arith.constant 1.000000e+00 : f32
    %max3A_194 = arith.maximumf %jit3A_192, %squeeze3A_191 : f32
    %min3A_195 = arith.minimumf %jit3A_193, %max3A_194 : f32
    %slice3A_196 = vector.extract_strided_slice %get3A_37 {offsets = [10], sizes = [1], strides = [1]} : vector<16xf32> to vector<1xf32>
    %squeeze3A_197 = vector.extract %slice3A_196[0] : f32 from vector<1xf32>
    %jit3A_198 = arith.constant 0.000000e+00 : f32
    %jit3A_199 = arith.constant 1.000000e+00 : f32
    %max3A_200 = arith.maximumf %jit3A_198, %squeeze3A_197 : f32
    %min3A_201 = arith.minimumf %jit3A_199, %max3A_200 : f32
    %slice3A_202 = vector.extract_strided_slice %get3A_37 {offsets = [11], sizes = [1], strides = [1]} : vector<16xf32> to vector<1xf32>
    %squeeze3A_203 = vector.extract %slice3A_202[0] : f32 from vector<1xf32>
    %jit3A_204 = arith.constant 0.000000e+00 : f32
    %jit3A_205 = arith.constant 1.000000e+00 : f32
    %max3A_206 = arith.maximumf %jit3A_204, %squeeze3A_203 : f32
    %min3A_207 = arith.minimumf %jit3A_205, %max3A_206 : f32
    %slice3A_208 = vector.extract_strided_slice %get3A_37 {offsets = [12], sizes = [1], strides = [1]} : vector<16xf32> to vector<1xf32>
    %squeeze3A_209 = vector.extract %slice3A_208[0] : f32 from vector<1xf32>
    %jit3A_210 = arith.constant 0.000000e+00 : f32
    %jit3A_211 = arith.constant 1.000000e+00 : f32
    %max3A_212 = arith.maximumf %jit3A_210, %squeeze3A_209 : f32
    %min3A_213 = arith.minimumf %jit3A_211, %max3A_212 : f32
    %slice3A_214 = vector.extract_strided_slice %get3A_37 {offsets = [13], sizes = [1], strides = [1]} : vector<16xf32> to vector<1xf32>
    %squeeze3A_215 = vector.extract %slice3A_214[0] : f32 from vector<1xf32>
    %jit3A_216 = arith.constant 0.000000e+00 : f32
    %jit3A_217 = arith.constant 1.000000e+00 : f32
    %max3A_218 = arith.maximumf %jit3A_216, %squeeze3A_215 : f32
    %min3A_219 = arith.minimumf %jit3A_217, %max3A_218 : f32
    %slice3A_220 = vector.extract_strided_slice %get3A_37 {offsets = [14], sizes = [1], strides = [1]} : vector<16xf32> to vector<1xf32>
    %squeeze3A_221 = vector.extract %slice3A_220[0] : f32 from vector<1xf32>
    %jit3A_222 = arith.constant 0.000000e+00 : f32
    %jit3A_223 = arith.constant 1.000000e+00 : f32
    %max3A_224 = arith.maximumf %jit3A_222, %squeeze3A_221 : f32
    %min3A_225 = arith.minimumf %jit3A_223, %max3A_224 : f32
    %slice3A_226 = vector.extract_strided_slice %get3A_37 {offsets = [15], sizes = [1], strides = [1]} : vector<16xf32> to vector<1xf32>
    %squeeze3A_227 = vector.extract %slice3A_226[0] : f32 from vector<1xf32>
    %jit3A_228 = arith.constant 0.000000e+00 : f32
    %jit3A_229 = arith.constant 1.000000e+00 : f32
    %max3A_230 = arith.maximumf %jit3A_228, %squeeze3A_227 : f32
    %min3A_231 = arith.minimumf %jit3A_229, %max3A_230 : f32
    %slice3A_232 = vector.extract_strided_slice %get3A_40 {offsets = [0], sizes = [1], strides = [1]} : vector<16xf32> to vector<1xf32>
    %squeeze3A_233 = vector.extract %slice3A_232[0] : f32 from vector<1xf32>
    %jit3A_234 = arith.constant 0.000000e+00 : f32
    %jit3A_235 = arith.constant 1.000000e+00 : f32
    %max3A_236 = arith.maximumf %jit3A_234, %squeeze3A_233 : f32
    %min3A_237 = arith.minimumf %jit3A_235, %max3A_236 : f32
    %slice3A_238 = vector.extract_strided_slice %get3A_40 {offsets = [1], sizes = [1], strides = [1]} : vector<16xf32> to vector<1xf32>
    %squeeze3A_239 = vector.extract %slice3A_238[0] : f32 from vector<1xf32>
    %jit3A_240 = arith.constant 0.000000e+00 : f32
    %jit3A_241 = arith.constant 1.000000e+00 : f32
    %max3A_242 = arith.maximumf %jit3A_240, %squeeze3A_239 : f32
    %min3A_243 = arith.minimumf %jit3A_241, %max3A_242 : f32
    %slice3A_244 = vector.extract_strided_slice %get3A_40 {offsets = [2], sizes = [1], strides = [1]} : vector<16xf32> to vector<1xf32>
    %squeeze3A_245 = vector.extract %slice3A_244[0] : f32 from vector<1xf32>
    %jit3A_246 = arith.constant 0.000000e+00 : f32
    %jit3A_247 = arith.constant 1.000000e+00 : f32
    %max3A_248 = arith.maximumf %jit3A_246, %squeeze3A_245 : f32
    %min3A_249 = arith.minimumf %jit3A_247, %max3A_248 : f32
    %slice3A_250 = vector.extract_strided_slice %get3A_40 {offsets = [3], sizes = [1], strides = [1]} : vector<16xf32> to vector<1xf32>
    %squeeze3A_251 = vector.extract %slice3A_250[0] : f32 from vector<1xf32>
    %jit3A_252 = arith.constant 0.000000e+00 : f32
    %jit3A_253 = arith.constant 1.000000e+00 : f32
    %max3A_254 = arith.maximumf %jit3A_252, %squeeze3A_251 : f32
    %min3A_255 = arith.minimumf %jit3A_253, %max3A_254 : f32
    %slice3A_256 = vector.extract_strided_slice %get3A_40 {offsets = [4], sizes = [1], strides = [1]} : vector<16xf32> to vector<1xf32>
    %squeeze3A_257 = vector.extract %slice3A_256[0] : f32 from vector<1xf32>
    %jit3A_258 = arith.constant 0.000000e+00 : f32
    %jit3A_259 = arith.constant 1.000000e+00 : f32
    %max3A_260 = arith.maximumf %jit3A_258, %squeeze3A_257 : f32
    %min3A_261 = arith.minimumf %jit3A_259, %max3A_260 : f32
    %slice3A_262 = vector.extract_strided_slice %get3A_40 {offsets = [5], sizes = [1], strides = [1]} : vector<16xf32> to vector<1xf32>
    %squeeze3A_263 = vector.extract %slice3A_262[0] : f32 from vector<1xf32>
    %jit3A_264 = arith.constant 0.000000e+00 : f32
    %jit3A_265 = arith.constant 1.000000e+00 : f32
    %max3A_266 = arith.maximumf %jit3A_264, %squeeze3A_263 : f32
    %min3A_267 = arith.minimumf %jit3A_265, %max3A_266 : f32
    %slice3A_268 = vector.extract_strided_slice %get3A_40 {offsets = [6], sizes = [1], strides = [1]} : vector<16xf32> to vector<1xf32>
    %squeeze3A_269 = vector.extract %slice3A_268[0] : f32 from vector<1xf32>
    %jit3A_270 = arith.constant 0.000000e+00 : f32
    %jit3A_271 = arith.constant 1.000000e+00 : f32
    %max3A_272 = arith.maximumf %jit3A_270, %squeeze3A_269 : f32
    %min3A_273 = arith.minimumf %jit3A_271, %max3A_272 : f32
    %slice3A_274 = vector.extract_strided_slice %get3A_40 {offsets = [7], sizes = [1], strides = [1]} : vector<16xf32> to vector<1xf32>
    %squeeze3A_275 = vector.extract %slice3A_274[0] : f32 from vector<1xf32>
    %jit3A_276 = arith.constant 0.000000e+00 : f32
    %jit3A_277 = arith.constant 1.000000e+00 : f32
    %max3A_278 = arith.maximumf %jit3A_276, %squeeze3A_275 : f32
    %min3A_279 = arith.minimumf %jit3A_277, %max3A_278 : f32
    %slice3A_280 = vector.extract_strided_slice %get3A_40 {offsets = [8], sizes = [1], strides = [1]} : vector<16xf32> to vector<1xf32>
    %squeeze3A_281 = vector.extract %slice3A_280[0] : f32 from vector<1xf32>
    %jit3A_282 = arith.constant 0.000000e+00 : f32
    %jit3A_283 = arith.constant 1.000000e+00 : f32
    %max3A_284 = arith.maximumf %jit3A_282, %squeeze3A_281 : f32
    %min3A_285 = arith.minimumf %jit3A_283, %max3A_284 : f32
    %slice3A_286 = vector.extract_strided_slice %get3A_40 {offsets = [9], sizes = [1], strides = [1]} : vector<16xf32> to vector<1xf32>
    %squeeze3A_287 = vector.extract %slice3A_286[0] : f32 from vector<1xf32>
    %jit3A_288 = arith.constant 0.000000e+00 : f32
    %jit3A_289 = arith.constant 1.000000e+00 : f32
    %max3A_290 = arith.maximumf %jit3A_288, %squeeze3A_287 : f32
    %min3A_291 = arith.minimumf %jit3A_289, %max3A_290 : f32
    %slice3A_292 = vector.extract_strided_slice %get3A_40 {offsets = [10], sizes = [1], strides = [1]} : vector<16xf32> to vector<1xf32>
    %squeeze3A_293 = vector.extract %slice3A_292[0] : f32 from vector<1xf32>
    %jit3A_294 = arith.constant 0.000000e+00 : f32
    %jit3A_295 = arith.constant 1.000000e+00 : f32
    %max3A_296 = arith.maximumf %jit3A_294, %squeeze3A_293 : f32
    %min3A_297 = arith.minimumf %jit3A_295, %max3A_296 : f32
    %slice3A_298 = vector.extract_strided_slice %get3A_40 {offsets = [11], sizes = [1], strides = [1]} : vector<16xf32> to vector<1xf32>
    %squeeze3A_299 = vector.extract %slice3A_298[0] : f32 from vector<1xf32>
    %jit3A_300 = arith.constant 0.000000e+00 : f32
    %jit3A_301 = arith.constant 1.000000e+00 : f32
    %max3A_302 = arith.maximumf %jit3A_300, %squeeze3A_299 : f32
    %min3A_303 = arith.minimumf %jit3A_301, %max3A_302 : f32
    %slice3A_304 = vector.extract_strided_slice %get3A_40 {offsets = [12], sizes = [1], strides = [1]} : vector<16xf32> to vector<1xf32>
    %squeeze3A_305 = vector.extract %slice3A_304[0] : f32 from vector<1xf32>
    %jit3A_306 = arith.constant 0.000000e+00 : f32
    %jit3A_307 = arith.constant 1.000000e+00 : f32
    %max3A_308 = arith.maximumf %jit3A_306, %squeeze3A_305 : f32
    %min3A_309 = arith.minimumf %jit3A_307, %max3A_308 : f32
    %slice3A_310 = vector.extract_strided_slice %get3A_40 {offsets = [13], sizes = [1], strides = [1]} : vector<16xf32> to vector<1xf32>
    %squeeze3A_311 = vector.extract %slice3A_310[0] : f32 from vector<1xf32>
    %jit3A_312 = arith.constant 0.000000e+00 : f32
    %jit3A_313 = arith.constant 1.000000e+00 : f32
    %max3A_314 = arith.maximumf %jit3A_312, %squeeze3A_311 : f32
    %min3A_315 = arith.minimumf %jit3A_313, %max3A_314 : f32
    %slice3A_316 = vector.extract_strided_slice %get3A_40 {offsets = [14], sizes = [1], strides = [1]} : vector<16xf32> to vector<1xf32>
    %squeeze3A_317 = vector.extract %slice3A_316[0] : f32 from vector<1xf32>
    %jit3A_318 = arith.constant 0.000000e+00 : f32
    %jit3A_319 = arith.constant 1.000000e+00 : f32
    %max3A_320 = arith.maximumf %jit3A_318, %squeeze3A_317 : f32
    %min3A_321 = arith.minimumf %jit3A_319, %max3A_320 : f32
    %slice3A_322 = vector.extract_strided_slice %get3A_40 {offsets = [15], sizes = [1], strides = [1]} : vector<16xf32> to vector<1xf32>
    %squeeze3A_323 = vector.extract %slice3A_322[0] : f32 from vector<1xf32>
    %jit3A_324 = arith.constant 0.000000e+00 : f32
    %jit3A_325 = arith.constant 1.000000e+00 : f32
    %max3A_326 = arith.maximumf %jit3A_324, %squeeze3A_323 : f32
    %min3A_327 = arith.minimumf %jit3A_325, %max3A_326 : f32
    %slice3A_328 = vector.extract_strided_slice %get3A_43 {offsets = [0], sizes = [1], strides = [1]} : vector<16xf32> to vector<1xf32>
    %squeeze3A_329 = vector.extract %slice3A_328[0] : f32 from vector<1xf32>
    %jit3A_330 = arith.constant 0.000000e+00 : f32
    %jit3A_331 = arith.constant 1.000000e+00 : f32
    %max3A_332 = arith.maximumf %jit3A_330, %squeeze3A_329 : f32
    %min3A_333 = arith.minimumf %jit3A_331, %max3A_332 : f32
    %slice3A_334 = vector.extract_strided_slice %get3A_43 {offsets = [1], sizes = [1], strides = [1]} : vector<16xf32> to vector<1xf32>
    %squeeze3A_335 = vector.extract %slice3A_334[0] : f32 from vector<1xf32>
    %jit3A_336 = arith.constant 0.000000e+00 : f32
    %jit3A_337 = arith.constant 1.000000e+00 : f32
    %max3A_338 = arith.maximumf %jit3A_336, %squeeze3A_335 : f32
    %min3A_339 = arith.minimumf %jit3A_337, %max3A_338 : f32
    %slice3A_340 = vector.extract_strided_slice %get3A_43 {offsets = [2], sizes = [1], strides = [1]} : vector<16xf32> to vector<1xf32>
    %squeeze3A_341 = vector.extract %slice3A_340[0] : f32 from vector<1xf32>
    %jit3A_342 = arith.constant 0.000000e+00 : f32
    %jit3A_343 = arith.constant 1.000000e+00 : f32
    %max3A_344 = arith.maximumf %jit3A_342, %squeeze3A_341 : f32
    %min3A_345 = arith.minimumf %jit3A_343, %max3A_344 : f32
    %slice3A_346 = vector.extract_strided_slice %get3A_43 {offsets = [3], sizes = [1], strides = [1]} : vector<16xf32> to vector<1xf32>
    %squeeze3A_347 = vector.extract %slice3A_346[0] : f32 from vector<1xf32>
    %jit3A_348 = arith.constant 0.000000e+00 : f32
    %jit3A_349 = arith.constant 1.000000e+00 : f32
    %max3A_350 = arith.maximumf %jit3A_348, %squeeze3A_347 : f32
    %min3A_351 = arith.minimumf %jit3A_349, %max3A_350 : f32
    %slice3A_352 = vector.extract_strided_slice %get3A_43 {offsets = [4], sizes = [1], strides = [1]} : vector<16xf32> to vector<1xf32>
    %squeeze3A_353 = vector.extract %slice3A_352[0] : f32 from vector<1xf32>
    %jit3A_354 = arith.constant 0.000000e+00 : f32
    %jit3A_355 = arith.constant 1.000000e+00 : f32
    %max3A_356 = arith.maximumf %jit3A_354, %squeeze3A_353 : f32
    %min3A_357 = arith.minimumf %jit3A_355, %max3A_356 : f32
    %slice3A_358 = vector.extract_strided_slice %get3A_43 {offsets = [5], sizes = [1], strides = [1]} : vector<16xf32> to vector<1xf32>
    %squeeze3A_359 = vector.extract %slice3A_358[0] : f32 from vector<1xf32>
    %jit3A_360 = arith.constant 0.000000e+00 : f32
    %jit3A_361 = arith.constant 1.000000e+00 : f32
    %max3A_362 = arith.maximumf %jit3A_360, %squeeze3A_359 : f32
    %min3A_363 = arith.minimumf %jit3A_361, %max3A_362 : f32
    %slice3A_364 = vector.extract_strided_slice %get3A_43 {offsets = [6], sizes = [1], strides = [1]} : vector<16xf32> to vector<1xf32>
    %squeeze3A_365 = vector.extract %slice3A_364[0] : f32 from vector<1xf32>
    %jit3A_366 = arith.constant 0.000000e+00 : f32
    %jit3A_367 = arith.constant 1.000000e+00 : f32
    %max3A_368 = arith.maximumf %jit3A_366, %squeeze3A_365 : f32
    %min3A_369 = arith.minimumf %jit3A_367, %max3A_368 : f32
    %slice3A_370 = vector.extract_strided_slice %get3A_43 {offsets = [7], sizes = [1], strides = [1]} : vector<16xf32> to vector<1xf32>
    %squeeze3A_371 = vector.extract %slice3A_370[0] : f32 from vector<1xf32>
    %jit3A_372 = arith.constant 0.000000e+00 : f32
    %jit3A_373 = arith.constant 1.000000e+00 : f32
    %max3A_374 = arith.maximumf %jit3A_372, %squeeze3A_371 : f32
    %min3A_375 = arith.minimumf %jit3A_373, %max3A_374 : f32
    %slice3A_376 = vector.extract_strided_slice %get3A_43 {offsets = [8], sizes = [1], strides = [1]} : vector<16xf32> to vector<1xf32>
    %squeeze3A_377 = vector.extract %slice3A_376[0] : f32 from vector<1xf32>
    %jit3A_378 = arith.constant 0.000000e+00 : f32
    %jit3A_379 = arith.constant 1.000000e+00 : f32
    %max3A_380 = arith.maximumf %jit3A_378, %squeeze3A_377 : f32
    %min3A_381 = arith.minimumf %jit3A_379, %max3A_380 : f32
    %slice3A_382 = vector.extract_strided_slice %get3A_43 {offsets = [9], sizes = [1], strides = [1]} : vector<16xf32> to vector<1xf32>
    %squeeze3A_383 = vector.extract %slice3A_382[0] : f32 from vector<1xf32>
    %jit3A_384 = arith.constant 0.000000e+00 : f32
    %jit3A_385 = arith.constant 1.000000e+00 : f32
    %max3A_386 = arith.maximumf %jit3A_384, %squeeze3A_383 : f32
    %min3A_387 = arith.minimumf %jit3A_385, %max3A_386 : f32
    %slice3A_388 = vector.extract_strided_slice %get3A_43 {offsets = [10], sizes = [1], strides = [1]} : vector<16xf32> to vector<1xf32>
    %squeeze3A_389 = vector.extract %slice3A_388[0] : f32 from vector<1xf32>
    %jit3A_390 = arith.constant 0.000000e+00 : f32
    %jit3A_391 = arith.constant 1.000000e+00 : f32
    %max3A_392 = arith.maximumf %jit3A_390, %squeeze3A_389 : f32
    %min3A_393 = arith.minimumf %jit3A_391, %max3A_392 : f32
    %slice3A_394 = vector.extract_strided_slice %get3A_43 {offsets = [11], sizes = [1], strides = [1]} : vector<16xf32> to vector<1xf32>
    %squeeze3A_395 = vector.extract %slice3A_394[0] : f32 from vector<1xf32>
    %jit3A_396 = arith.constant 0.000000e+00 : f32
    %jit3A_397 = arith.constant 1.000000e+00 : f32
    %max3A_398 = arith.maximumf %jit3A_396, %squeeze3A_395 : f32
    %min3A_399 = arith.minimumf %jit3A_397, %max3A_398 : f32
    %slice3A_400 = vector.extract_strided_slice %get3A_43 {offsets = [12], sizes = [1], strides = [1]} : vector<16xf32> to vector<1xf32>
    %squeeze3A_401 = vector.extract %slice3A_400[0] : f32 from vector<1xf32>
    %jit3A_402 = arith.constant 0.000000e+00 : f32
    %jit3A_403 = arith.constant 1.000000e+00 : f32
    %max3A_404 = arith.maximumf %jit3A_402, %squeeze3A_401 : f32
    %min3A_405 = arith.minimumf %jit3A_403, %max3A_404 : f32
    %slice3A_406 = vector.extract_strided_slice %get3A_43 {offsets = [13], sizes = [1], strides = [1]} : vector<16xf32> to vector<1xf32>
    %squeeze3A_407 = vector.extract %slice3A_406[0] : f32 from vector<1xf32>
    %jit3A_408 = arith.constant 0.000000e+00 : f32
    %jit3A_409 = arith.constant 1.000000e+00 : f32
    %max3A_410 = arith.maximumf %jit3A_408, %squeeze3A_407 : f32
    %min3A_411 = arith.minimumf %jit3A_409, %max3A_410 : f32
    %slice3A_412 = vector.extract_strided_slice %get3A_43 {offsets = [14], sizes = [1], strides = [1]} : vector<16xf32> to vector<1xf32>
    %squeeze3A_413 = vector.extract %slice3A_412[0] : f32 from vector<1xf32>
    %jit3A_414 = arith.constant 0.000000e+00 : f32
    %jit3A_415 = arith.constant 1.000000e+00 : f32
    %max3A_416 = arith.maximumf %jit3A_414, %squeeze3A_413 : f32
    %min3A_417 = arith.minimumf %jit3A_415, %max3A_416 : f32
    %slice3A_418 = vector.extract_strided_slice %get3A_43 {offsets = [15], sizes = [1], strides = [1]} : vector<16xf32> to vector<1xf32>
    %squeeze3A_419 = vector.extract %slice3A_418[0] : f32 from vector<1xf32>
    %jit3A_420 = arith.constant 0.000000e+00 : f32
    %jit3A_421 = arith.constant 1.000000e+00 : f32
    %max3A_422 = arith.maximumf %jit3A_420, %squeeze3A_419 : f32
    %min3A_423 = arith.minimumf %jit3A_421, %max3A_422 : f32
    %sub3A_424 = arith.subf %min3A_51, %min3A : f32
    %max3A_425 = arith.constant 0.000000e+00 : f32
    %max3A_426 = arith.maximumf %sub3A_424, %max3A_425 : f32
    %add3A_427 = arith.constant 0.000000e+00 : f32
    %add3A_428 = arith.addf %add3A_427, %max3A_426 : f32
    %sub3A_429 = arith.subf %min3A_63, %min3A_57 : f32
    %max3A_430 = arith.constant 0.000000e+00 : f32
    %max3A_431 = arith.maximumf %sub3A_429, %max3A_430 : f32
    %add3A_432 = arith.addf %add3A_428, %max3A_431 : f32
    %sub3A_433 = arith.subf %min3A_75, %min3A_69 : f32
    %max3A_434 = arith.constant 0.000000e+00 : f32
    %max3A_435 = arith.maximumf %sub3A_433, %max3A_434 : f32
    %add3A_436 = arith.addf %add3A_432, %max3A_435 : f32
    %sub3A_437 = arith.subf %min3A_87, %min3A_81 : f32
    %max3A_438 = arith.constant 0.000000e+00 : f32
    %max3A_439 = arith.maximumf %sub3A_437, %max3A_438 : f32
    %add3A_440 = arith.addf %add3A_436, %max3A_439 : f32
    %sub3A_441 = arith.subf %min3A_99, %min3A_93 : f32
    %max3A_442 = arith.constant 0.000000e+00 : f32
    %max3A_443 = arith.maximumf %sub3A_441, %max3A_442 : f32
    %add3A_444 = arith.addf %add3A_440, %max3A_443 : f32
    %sub3A_445 = arith.subf %min3A_111, %min3A_105 : f32
    %max3A_446 = arith.constant 0.000000e+00 : f32
    %max3A_447 = arith.maximumf %sub3A_445, %max3A_446 : f32
    %add3A_448 = arith.addf %add3A_444, %max3A_447 : f32
    %sub3A_449 = arith.subf %min3A_123, %min3A_117 : f32
    %max3A_450 = arith.constant 0.000000e+00 : f32
    %max3A_451 = arith.maximumf %sub3A_449, %max3A_450 : f32
    %add3A_452 = arith.addf %add3A_448, %max3A_451 : f32
    %sub3A_453 = arith.subf %min3A_135, %min3A_129 : f32
    %max3A_454 = arith.constant 0.000000e+00 : f32
    %max3A_455 = arith.maximumf %sub3A_453, %max3A_454 : f32
    %add3A_456 = arith.addf %add3A_452, %max3A_455 : f32
    %sub3A_457 = arith.subf %min3A_147, %min3A_141 : f32
    %max3A_458 = arith.constant 0.000000e+00 : f32
    %max3A_459 = arith.maximumf %sub3A_457, %max3A_458 : f32
    %add3A_460 = arith.addf %add3A_456, %max3A_459 : f32
    %sub3A_461 = arith.subf %min3A_159, %min3A_153 : f32
    %max3A_462 = arith.constant 0.000000e+00 : f32
    %max3A_463 = arith.maximumf %sub3A_461, %max3A_462 : f32
    %add3A_464 = arith.addf %add3A_460, %max3A_463 : f32
    %sub3A_465 = arith.subf %min3A_171, %min3A_165 : f32
    %max3A_466 = arith.constant 0.000000e+00 : f32
    %max3A_467 = arith.maximumf %sub3A_465, %max3A_466 : f32
    %add3A_468 = arith.addf %add3A_464, %max3A_467 : f32
    %sub3A_469 = arith.subf %min3A_183, %min3A_177 : f32
    %max3A_470 = arith.constant 0.000000e+00 : f32
    %max3A_471 = arith.maximumf %sub3A_469, %max3A_470 : f32
    %add3A_472 = arith.addf %add3A_468, %max3A_471 : f32
    %sub3A_473 = arith.subf %min3A_195, %min3A_189 : f32
    %max3A_474 = arith.constant 0.000000e+00 : f32
    %max3A_475 = arith.maximumf %sub3A_473, %max3A_474 : f32
    %add3A_476 = arith.addf %add3A_472, %max3A_475 : f32
    %sub3A_477 = arith.subf %min3A_207, %min3A_201 : f32
    %max3A_478 = arith.constant 0.000000e+00 : f32
    %max3A_479 = arith.maximumf %sub3A_477, %max3A_478 : f32
    %add3A_480 = arith.addf %add3A_476, %max3A_479 : f32
    %sub3A_481 = arith.subf %min3A_219, %min3A_213 : f32
    %max3A_482 = arith.constant 0.000000e+00 : f32
    %max3A_483 = arith.maximumf %sub3A_481, %max3A_482 : f32
    %add3A_484 = arith.addf %add3A_480, %max3A_483 : f32
    %sub3A_485 = arith.subf %min3A_231, %min3A_225 : f32
    %max3A_486 = arith.constant 0.000000e+00 : f32
    %max3A_487 = arith.maximumf %sub3A_485, %max3A_486 : f32
    %add3A_488 = arith.addf %add3A_484, %max3A_487 : f32
    %sub3A_489 = arith.subf %min3A_243, %min3A_237 : f32
    %max3A_490 = arith.constant 0.000000e+00 : f32
    %max3A_491 = arith.maximumf %sub3A_489, %max3A_490 : f32
    %add3A_492 = arith.addf %add3A_488, %max3A_491 : f32
    %sub3A_493 = arith.subf %min3A_255, %min3A_249 : f32
    %max3A_494 = arith.constant 0.000000e+00 : f32
    %max3A_495 = arith.maximumf %sub3A_493, %max3A_494 : f32
    %add3A_496 = arith.addf %add3A_492, %max3A_495 : f32
    %sub3A_497 = arith.subf %min3A_267, %min3A_261 : f32
    %max3A_498 = arith.constant 0.000000e+00 : f32
    %max3A_499 = arith.maximumf %sub3A_497, %max3A_498 : f32
    %add3A_500 = arith.addf %add3A_496, %max3A_499 : f32
    %sub3A_501 = arith.subf %min3A_279, %min3A_273 : f32
    %max3A_502 = arith.constant 0.000000e+00 : f32
    %max3A_503 = arith.maximumf %sub3A_501, %max3A_502 : f32
    %add3A_504 = arith.addf %add3A_500, %max3A_503 : f32
    %sub3A_505 = arith.subf %min3A_291, %min3A_285 : f32
    %max3A_506 = arith.constant 0.000000e+00 : f32
    %max3A_507 = arith.maximumf %sub3A_505, %max3A_506 : f32
    %add3A_508 = arith.addf %add3A_504, %max3A_507 : f32
    %sub3A_509 = arith.subf %min3A_303, %min3A_297 : f32
    %max3A_510 = arith.constant 0.000000e+00 : f32
    %max3A_511 = arith.maximumf %sub3A_509, %max3A_510 : f32
    %add3A_512 = arith.addf %add3A_508, %max3A_511 : f32
    %sub3A_513 = arith.subf %min3A_315, %min3A_309 : f32
    %max3A_514 = arith.constant 0.000000e+00 : f32
    %max3A_515 = arith.maximumf %sub3A_513, %max3A_514 : f32
    %add3A_516 = arith.addf %add3A_512, %max3A_515 : f32
    %sub3A_517 = arith.subf %min3A_327, %min3A_321 : f32
    %max3A_518 = arith.constant 0.000000e+00 : f32
    %max3A_519 = arith.maximumf %sub3A_517, %max3A_518 : f32
    %add3A_520 = arith.addf %add3A_516, %max3A_519 : f32
    %sub3A_521 = arith.subf %min3A_339, %min3A_333 : f32
    %max3A_522 = arith.constant 0.000000e+00 : f32
    %max3A_523 = arith.maximumf %sub3A_521, %max3A_522 : f32
    %add3A_524 = arith.addf %add3A_520, %max3A_523 : f32
    %sub3A_525 = arith.subf %min3A_351, %min3A_345 : f32
    %max3A_526 = arith.constant 0.000000e+00 : f32
    %max3A_527 = arith.maximumf %sub3A_525, %max3A_526 : f32
    %add3A_528 = arith.addf %add3A_524, %max3A_527 : f32
    %sub3A_529 = arith.subf %min3A_363, %min3A_357 : f32
    %max3A_530 = arith.constant 0.000000e+00 : f32
    %max3A_531 = arith.maximumf %sub3A_529, %max3A_530 : f32
    %add3A_532 = arith.addf %add3A_528, %max3A_531 : f32
    %sub3A_533 = arith.subf %min3A_375, %min3A_369 : f32
    %max3A_534 = arith.constant 0.000000e+00 : f32
    %max3A_535 = arith.maximumf %sub3A_533, %max3A_534 : f32
    %add3A_536 = arith.addf %add3A_532, %max3A_535 : f32
    %sub3A_537 = arith.subf %min3A_387, %min3A_381 : f32
    %max3A_538 = arith.constant 0.000000e+00 : f32
    %max3A_539 = arith.maximumf %sub3A_537, %max3A_538 : f32
    %add3A_540 = arith.addf %add3A_536, %max3A_539 : f32
    %sub3A_541 = arith.subf %min3A_399, %min3A_393 : f32
    %max3A_542 = arith.constant 0.000000e+00 : f32
    %max3A_543 = arith.maximumf %sub3A_541, %max3A_542 : f32
    %add3A_544 = arith.addf %add3A_540, %max3A_543 : f32
    %sub3A_545 = arith.subf %min3A_411, %min3A_405 : f32
    %max3A_546 = arith.constant 0.000000e+00 : f32
    %max3A_547 = arith.maximumf %sub3A_545, %max3A_546 : f32
    %add3A_548 = arith.addf %add3A_544, %max3A_547 : f32
    %sub3A_549 = arith.subf %min3A_423, %min3A_417 : f32
    %max3A_550 = arith.constant 0.000000e+00 : f32
    %max3A_551 = arith.maximumf %sub3A_549, %max3A_550 : f32
    %add3A_552 = arith.addf %add3A_548, %max3A_551 : f32
    %gt3A = arith.constant 0.000000e+00 : f32
    %gt3A_553 = arith.cmpf ogt, %add3A_552, %gt3A : f32
    %jit3A_554 = arith.constant 1.000000e+00 : f32
    %jit3A_555 = arith.constant 0.000000e+00 : f32
    %select_n3A_556 = arith.select %gt3A_553, %jit3A_554, %jit3A_555 : f32
    %scan3A = arith.constant 0 : i32
    %scan3A_557 = arith.constant 0 : i32
    %mul3A_558 = arith.constant 16 : i32
    %mul3A_559 = arith.muli %scan3A_557, %mul3A_558 : i32
    %add3A_560 = arith.addi %mul3A_32, %mul3A_559 : i32
    %iota3A = tpu.iota {dimensions = array<i32: 0>} : vector<16xi32>
    %add3A_561 = vector.broadcast %add3A_560 : i32 to vector<16xi32>
    %add3A_562 = arith.addi %iota3A, %add3A_561 : vector<16xi32>
    %convert_element_type3A = arith.sitofp %add3A_562 : vector<16xi32> to vector<16xf32>
    %mul3A_563 = arith.constant 0.001953125 : f32
    %mul3A_564 = vector.broadcast %mul3A_563 : f32 to vector<16xf32>
    %mul3A_565 = arith.mulf %convert_element_type3A, %mul3A_564 : vector<16xf32>
    %add3A_566 = arith.constant 0.001953125 : f32
    %add3A_567 = vector.broadcast %add3A_566 : f32 to vector<16xf32>
    %add3A_568 = arith.addf %mul3A_565, %add3A_567 : vector<16xf32>
    %broadcast_in_dim3A = arith.constant -1.000000e+00 : f32
    %broadcast_in_dim3A_569 = vector.broadcast %broadcast_in_dim3A : f32 to vector<16xf32>
    %broadcast_in_dim3A_570 = arith.constant 0.000000e+00 : f32
    %broadcast_in_dim3A_571 = vector.broadcast %broadcast_in_dim3A_570 : f32 to vector<16xf32>
    %min3A_572 = vector.broadcast %min3A_51 : f32 to vector<16xf32>
    %min3A_573 = arith.minimumf %min3A_572, %add3A_568 : vector<16xf32>
    %max3A_574 = vector.broadcast %min3A : f32 to vector<16xf32>
    %max3A_575 = arith.maximumf %max3A_574, %mul3A_565 : vector<16xf32>
    %sub3A_576 = arith.subf %min3A_573, %max3A_575 : vector<16xf32>
    %max3A_577 = arith.constant 0.000000e+00 : f32
    %max3A_578 = vector.broadcast %max3A_577 : f32 to vector<16xf32>
    %max3A_579 = arith.maximumf %sub3A_576, %max3A_578 : vector<16xf32>
    %gt3A_580 = arith.cmpf ogt, %max3A_579, %broadcast_in_dim3A_569 : vector<16xf32>
    %gt3A_581 = arith.cmpf ogt, %max3A_579, %broadcast_in_dim3A_569 : vector<16xf32>
    %gt3A_582 = arith.cmpf ogt, %max3A_579, %broadcast_in_dim3A_569 : vector<16xf32>
    %broadcast_in_dim3A_583 = vector.broadcast %min3A : f32 to vector<16xf32>
    %broadcast_in_dim3A_584 = vector.broadcast %min3A_51 : f32 to vector<16xf32>
    %select_n3A_585 = arith.select %gt3A_581, %broadcast_in_dim3A_569, %max3A_579 : vector<16xi1>, vector<16xf32>
    %select_n3A_586 = arith.select %gt3A_582, %select_n3A_585, %broadcast_in_dim3A_569 : vector<16xi1>, vector<16xf32>
    %select_n3A_587 = arith.select %gt3A_581, %broadcast_in_dim3A_571, %broadcast_in_dim3A_583 : vector<16xi1>, vector<16xf32>
    %select_n3A_588 = arith.select %gt3A_582, %select_n3A_587, %broadcast_in_dim3A_571 : vector<16xi1>, vector<16xf32>
    %select_n3A_589 = arith.select %gt3A_581, %broadcast_in_dim3A_571, %broadcast_in_dim3A_584 : vector<16xi1>, vector<16xf32>
    %select_n3A_590 = arith.select %gt3A_582, %select_n3A_589, %broadcast_in_dim3A_571 : vector<16xi1>, vector<16xf32>
    %select_n3A_591 = arith.select %gt3A_580, %broadcast_in_dim3A_569, %max3A_579 : vector<16xi1>, vector<16xf32>
    %select_n3A_592 = arith.select %gt3A_581, %select_n3A_591, %broadcast_in_dim3A_569 : vector<16xi1>, vector<16xf32>
    %select_n3A_593 = arith.select %gt3A_580, %broadcast_in_dim3A_571, %broadcast_in_dim3A_583 : vector<16xi1>, vector<16xf32>
    %select_n3A_594 = arith.select %gt3A_581, %select_n3A_593, %broadcast_in_dim3A_571 : vector<16xi1>, vector<16xf32>
    %select_n3A_595 = arith.select %gt3A_580, %broadcast_in_dim3A_571, %broadcast_in_dim3A_584 : vector<16xi1>, vector<16xf32>
    %select_n3A_596 = arith.select %gt3A_581, %select_n3A_595, %broadcast_in_dim3A_571 : vector<16xi1>, vector<16xf32>
    %select_n3A_597 = arith.select %gt3A_580, %max3A_579, %broadcast_in_dim3A_569 : vector<16xi1>, vector<16xf32>
    %select_n3A_598 = arith.select %gt3A_580, %broadcast_in_dim3A_583, %broadcast_in_dim3A_571 : vector<16xi1>, vector<16xf32>
    %select_n3A_599 = arith.select %gt3A_580, %broadcast_in_dim3A_584, %broadcast_in_dim3A_571 : vector<16xi1>, vector<16xf32>
    %min3A_600 = vector.broadcast %min3A_63 : f32 to vector<16xf32>
    %min3A_601 = arith.minimumf %min3A_600, %add3A_568 : vector<16xf32>
    %max3A_602 = vector.broadcast %min3A_57 : f32 to vector<16xf32>
    %max3A_603 = arith.maximumf %max3A_602, %mul3A_565 : vector<16xf32>
    %sub3A_604 = arith.subf %min3A_601, %max3A_603 : vector<16xf32>
    %max3A_605 = arith.constant 0.000000e+00 : f32
    %max3A_606 = vector.broadcast %max3A_605 : f32 to vector<16xf32>
    %max3A_607 = arith.maximumf %sub3A_604, %max3A_606 : vector<16xf32>
    %gt3A_608 = arith.cmpf ogt, %max3A_607, %select_n3A_597 : vector<16xf32>
    %gt3A_609 = arith.cmpf ogt, %max3A_607, %select_n3A_592 : vector<16xf32>
    %gt3A_610 = arith.cmpf ogt, %max3A_607, %select_n3A_586 : vector<16xf32>
    %broadcast_in_dim3A_611 = vector.broadcast %min3A_57 : f32 to vector<16xf32>
    %broadcast_in_dim3A_612 = vector.broadcast %min3A_63 : f32 to vector<16xf32>
    %select_n3A_613 = arith.select %gt3A_609, %select_n3A_592, %max3A_607 : vector<16xi1>, vector<16xf32>
    %select_n3A_614 = arith.select %gt3A_610, %select_n3A_613, %select_n3A_586 : vector<16xi1>, vector<16xf32>
    %select_n3A_615 = arith.select %gt3A_609, %select_n3A_594, %broadcast_in_dim3A_611 : vector<16xi1>, vector<16xf32>
    %select_n3A_616 = arith.select %gt3A_610, %select_n3A_615, %select_n3A_588 : vector<16xi1>, vector<16xf32>
    %select_n3A_617 = arith.select %gt3A_609, %select_n3A_596, %broadcast_in_dim3A_612 : vector<16xi1>, vector<16xf32>
    %select_n3A_618 = arith.select %gt3A_610, %select_n3A_617, %select_n3A_590 : vector<16xi1>, vector<16xf32>
    %select_n3A_619 = arith.select %gt3A_608, %select_n3A_597, %max3A_607 : vector<16xi1>, vector<16xf32>
    %select_n3A_620 = arith.select %gt3A_609, %select_n3A_619, %select_n3A_592 : vector<16xi1>, vector<16xf32>
    %select_n3A_621 = arith.select %gt3A_608, %select_n3A_598, %broadcast_in_dim3A_611 : vector<16xi1>, vector<16xf32>
    %select_n3A_622 = arith.select %gt3A_609, %select_n3A_621, %select_n3A_594 : vector<16xi1>, vector<16xf32>
    %select_n3A_623 = arith.select %gt3A_608, %select_n3A_599, %broadcast_in_dim3A_612 : vector<16xi1>, vector<16xf32>
    %select_n3A_624 = arith.select %gt3A_609, %select_n3A_623, %select_n3A_596 : vector<16xi1>, vector<16xf32>
    %select_n3A_625 = arith.select %gt3A_608, %max3A_607, %select_n3A_597 : vector<16xi1>, vector<16xf32>
    %select_n3A_626 = arith.select %gt3A_608, %broadcast_in_dim3A_611, %select_n3A_598 : vector<16xi1>, vector<16xf32>
    %select_n3A_627 = arith.select %gt3A_608, %broadcast_in_dim3A_612, %select_n3A_599 : vector<16xi1>, vector<16xf32>
    %min3A_628 = vector.broadcast %min3A_75 : f32 to vector<16xf32>
    %min3A_629 = arith.minimumf %min3A_628, %add3A_568 : vector<16xf32>
    %max3A_630 = vector.broadcast %min3A_69 : f32 to vector<16xf32>
    %max3A_631 = arith.maximumf %max3A_630, %mul3A_565 : vector<16xf32>
    %sub3A_632 = arith.subf %min3A_629, %max3A_631 : vector<16xf32>
    %max3A_633 = arith.constant 0.000000e+00 : f32
    %max3A_634 = vector.broadcast %max3A_633 : f32 to vector<16xf32>
    %max3A_635 = arith.maximumf %sub3A_632, %max3A_634 : vector<16xf32>
    %gt3A_636 = arith.cmpf ogt, %max3A_635, %select_n3A_625 : vector<16xf32>
    %gt3A_637 = arith.cmpf ogt, %max3A_635, %select_n3A_620 : vector<16xf32>
    %gt3A_638 = arith.cmpf ogt, %max3A_635, %select_n3A_614 : vector<16xf32>
    %broadcast_in_dim3A_639 = vector.broadcast %min3A_69 : f32 to vector<16xf32>
    %broadcast_in_dim3A_640 = vector.broadcast %min3A_75 : f32 to vector<16xf32>
    %select_n3A_641 = arith.select %gt3A_637, %select_n3A_620, %max3A_635 : vector<16xi1>, vector<16xf32>
    %select_n3A_642 = arith.select %gt3A_638, %select_n3A_641, %select_n3A_614 : vector<16xi1>, vector<16xf32>
    %select_n3A_643 = arith.select %gt3A_637, %select_n3A_622, %broadcast_in_dim3A_639 : vector<16xi1>, vector<16xf32>
    %select_n3A_644 = arith.select %gt3A_638, %select_n3A_643, %select_n3A_616 : vector<16xi1>, vector<16xf32>
    %select_n3A_645 = arith.select %gt3A_637, %select_n3A_624, %broadcast_in_dim3A_640 : vector<16xi1>, vector<16xf32>
    %select_n3A_646 = arith.select %gt3A_638, %select_n3A_645, %select_n3A_618 : vector<16xi1>, vector<16xf32>
    %select_n3A_647 = arith.select %gt3A_636, %select_n3A_625, %max3A_635 : vector<16xi1>, vector<16xf32>
    %select_n3A_648 = arith.select %gt3A_637, %select_n3A_647, %select_n3A_620 : vector<16xi1>, vector<16xf32>
    %select_n3A_649 = arith.select %gt3A_636, %select_n3A_626, %broadcast_in_dim3A_639 : vector<16xi1>, vector<16xf32>
    %select_n3A_650 = arith.select %gt3A_637, %select_n3A_649, %select_n3A_622 : vector<16xi1>, vector<16xf32>
    %select_n3A_651 = arith.select %gt3A_636, %select_n3A_627, %broadcast_in_dim3A_640 : vector<16xi1>, vector<16xf32>
    %select_n3A_652 = arith.select %gt3A_637, %select_n3A_651, %select_n3A_624 : vector<16xi1>, vector<16xf32>
    %select_n3A_653 = arith.select %gt3A_636, %max3A_635, %select_n3A_625 : vector<16xi1>, vector<16xf32>
    %select_n3A_654 = arith.select %gt3A_636, %broadcast_in_dim3A_639, %select_n3A_626 : vector<16xi1>, vector<16xf32>
    %select_n3A_655 = arith.select %gt3A_636, %broadcast_in_dim3A_640, %select_n3A_627 : vector<16xi1>, vector<16xf32>
    %min3A_656 = vector.broadcast %min3A_87 : f32 to vector<16xf32>
    %min3A_657 = arith.minimumf %min3A_656, %add3A_568 : vector<16xf32>
    %max3A_658 = vector.broadcast %min3A_81 : f32 to vector<16xf32>
    %max3A_659 = arith.maximumf %max3A_658, %mul3A_565 : vector<16xf32>
    %sub3A_660 = arith.subf %min3A_657, %max3A_659 : vector<16xf32>
    %max3A_661 = arith.constant 0.000000e+00 : f32
    %max3A_662 = vector.broadcast %max3A_661 : f32 to vector<16xf32>
    %max3A_663 = arith.maximumf %sub3A_660, %max3A_662 : vector<16xf32>
    %gt3A_664 = arith.cmpf ogt, %max3A_663, %select_n3A_653 : vector<16xf32>
    %gt3A_665 = arith.cmpf ogt, %max3A_663, %select_n3A_648 : vector<16xf32>
    %gt3A_666 = arith.cmpf ogt, %max3A_663, %select_n3A_642 : vector<16xf32>
    %broadcast_in_dim3A_667 = vector.broadcast %min3A_81 : f32 to vector<16xf32>
    %broadcast_in_dim3A_668 = vector.broadcast %min3A_87 : f32 to vector<16xf32>
    %select_n3A_669 = arith.select %gt3A_665, %select_n3A_648, %max3A_663 : vector<16xi1>, vector<16xf32>
    %select_n3A_670 = arith.select %gt3A_666, %select_n3A_669, %select_n3A_642 : vector<16xi1>, vector<16xf32>
    %select_n3A_671 = arith.select %gt3A_665, %select_n3A_650, %broadcast_in_dim3A_667 : vector<16xi1>, vector<16xf32>
    %select_n3A_672 = arith.select %gt3A_666, %select_n3A_671, %select_n3A_644 : vector<16xi1>, vector<16xf32>
    %select_n3A_673 = arith.select %gt3A_665, %select_n3A_652, %broadcast_in_dim3A_668 : vector<16xi1>, vector<16xf32>
    %select_n3A_674 = arith.select %gt3A_666, %select_n3A_673, %select_n3A_646 : vector<16xi1>, vector<16xf32>
    %select_n3A_675 = arith.select %gt3A_664, %select_n3A_653, %max3A_663 : vector<16xi1>, vector<16xf32>
    %select_n3A_676 = arith.select %gt3A_665, %select_n3A_675, %select_n3A_648 : vector<16xi1>, vector<16xf32>
    %select_n3A_677 = arith.select %gt3A_664, %select_n3A_654, %broadcast_in_dim3A_667 : vector<16xi1>, vector<16xf32>
    %select_n3A_678 = arith.select %gt3A_665, %select_n3A_677, %select_n3A_650 : vector<16xi1>, vector<16xf32>
    %select_n3A_679 = arith.select %gt3A_664, %select_n3A_655, %broadcast_in_dim3A_668 : vector<16xi1>, vector<16xf32>
    %select_n3A_680 = arith.select %gt3A_665, %select_n3A_679, %select_n3A_652 : vector<16xi1>, vector<16xf32>
    %select_n3A_681 = arith.select %gt3A_664, %max3A_663, %select_n3A_653 : vector<16xi1>, vector<16xf32>
    %select_n3A_682 = arith.select %gt3A_664, %broadcast_in_dim3A_667, %select_n3A_654 : vector<16xi1>, vector<16xf32>
    %select_n3A_683 = arith.select %gt3A_664, %broadcast_in_dim3A_668, %select_n3A_655 : vector<16xi1>, vector<16xf32>
    %min3A_684 = vector.broadcast %min3A_99 : f32 to vector<16xf32>
    %min3A_685 = arith.minimumf %min3A_684, %add3A_568 : vector<16xf32>
    %max3A_686 = vector.broadcast %min3A_93 : f32 to vector<16xf32>
    %max3A_687 = arith.maximumf %max3A_686, %mul3A_565 : vector<16xf32>
    %sub3A_688 = arith.subf %min3A_685, %max3A_687 : vector<16xf32>
    %max3A_689 = arith.constant 0.000000e+00 : f32
    %max3A_690 = vector.broadcast %max3A_689 : f32 to vector<16xf32>
    %max3A_691 = arith.maximumf %sub3A_688, %max3A_690 : vector<16xf32>
    %gt3A_692 = arith.cmpf ogt, %max3A_691, %select_n3A_681 : vector<16xf32>
    %gt3A_693 = arith.cmpf ogt, %max3A_691, %select_n3A_676 : vector<16xf32>
    %gt3A_694 = arith.cmpf ogt, %max3A_691, %select_n3A_670 : vector<16xf32>
    %broadcast_in_dim3A_695 = vector.broadcast %min3A_93 : f32 to vector<16xf32>
    %broadcast_in_dim3A_696 = vector.broadcast %min3A_99 : f32 to vector<16xf32>
    %select_n3A_697 = arith.select %gt3A_693, %select_n3A_676, %max3A_691 : vector<16xi1>, vector<16xf32>
    %select_n3A_698 = arith.select %gt3A_694, %select_n3A_697, %select_n3A_670 : vector<16xi1>, vector<16xf32>
    %select_n3A_699 = arith.select %gt3A_693, %select_n3A_678, %broadcast_in_dim3A_695 : vector<16xi1>, vector<16xf32>
    %select_n3A_700 = arith.select %gt3A_694, %select_n3A_699, %select_n3A_672 : vector<16xi1>, vector<16xf32>
    %select_n3A_701 = arith.select %gt3A_693, %select_n3A_680, %broadcast_in_dim3A_696 : vector<16xi1>, vector<16xf32>
    %select_n3A_702 = arith.select %gt3A_694, %select_n3A_701, %select_n3A_674 : vector<16xi1>, vector<16xf32>
    %select_n3A_703 = arith.select %gt3A_692, %select_n3A_681, %max3A_691 : vector<16xi1>, vector<16xf32>
    %select_n3A_704 = arith.select %gt3A_693, %select_n3A_703, %select_n3A_676 : vector<16xi1>, vector<16xf32>
    %select_n3A_705 = arith.select %gt3A_692, %select_n3A_682, %broadcast_in_dim3A_695 : vector<16xi1>, vector<16xf32>
    %select_n3A_706 = arith.select %gt3A_693, %select_n3A_705, %select_n3A_678 : vector<16xi1>, vector<16xf32>
    %select_n3A_707 = arith.select %gt3A_692, %select_n3A_683, %broadcast_in_dim3A_696 : vector<16xi1>, vector<16xf32>
    %select_n3A_708 = arith.select %gt3A_693, %select_n3A_707, %select_n3A_680 : vector<16xi1>, vector<16xf32>
    %select_n3A_709 = arith.select %gt3A_692, %max3A_691, %select_n3A_681 : vector<16xi1>, vector<16xf32>
    %select_n3A_710 = arith.select %gt3A_692, %broadcast_in_dim3A_695, %select_n3A_682 : vector<16xi1>, vector<16xf32>
    %select_n3A_711 = arith.select %gt3A_692, %broadcast_in_dim3A_696, %select_n3A_683 : vector<16xi1>, vector<16xf32>
    %min3A_712 = vector.broadcast %min3A_111 : f32 to vector<16xf32>
    %min3A_713 = arith.minimumf %min3A_712, %add3A_568 : vector<16xf32>
    %max3A_714 = vector.broadcast %min3A_105 : f32 to vector<16xf32>
    %max3A_715 = arith.maximumf %max3A_714, %mul3A_565 : vector<16xf32>
    %sub3A_716 = arith.subf %min3A_713, %max3A_715 : vector<16xf32>
    %max3A_717 = arith.constant 0.000000e+00 : f32
    %max3A_718 = vector.broadcast %max3A_717 : f32 to vector<16xf32>
    %max3A_719 = arith.maximumf %sub3A_716, %max3A_718 : vector<16xf32>
    %gt3A_720 = arith.cmpf ogt, %max3A_719, %select_n3A_709 : vector<16xf32>
    %gt3A_721 = arith.cmpf ogt, %max3A_719, %select_n3A_704 : vector<16xf32>
    %gt3A_722 = arith.cmpf ogt, %max3A_719, %select_n3A_698 : vector<16xf32>
    %broadcast_in_dim3A_723 = vector.broadcast %min3A_105 : f32 to vector<16xf32>
    %broadcast_in_dim3A_724 = vector.broadcast %min3A_111 : f32 to vector<16xf32>
    %select_n3A_725 = arith.select %gt3A_721, %select_n3A_704, %max3A_719 : vector<16xi1>, vector<16xf32>
    %select_n3A_726 = arith.select %gt3A_722, %select_n3A_725, %select_n3A_698 : vector<16xi1>, vector<16xf32>
    %select_n3A_727 = arith.select %gt3A_721, %select_n3A_706, %broadcast_in_dim3A_723 : vector<16xi1>, vector<16xf32>
    %select_n3A_728 = arith.select %gt3A_722, %select_n3A_727, %select_n3A_700 : vector<16xi1>, vector<16xf32>
    %select_n3A_729 = arith.select %gt3A_721, %select_n3A_708, %broadcast_in_dim3A_724 : vector<16xi1>, vector<16xf32>
    %select_n3A_730 = arith.select %gt3A_722, %select_n3A_729, %select_n3A_702 : vector<16xi1>, vector<16xf32>
    %select_n3A_731 = arith.select %gt3A_720, %select_n3A_709, %max3A_719 : vector<16xi1>, vector<16xf32>
    %select_n3A_732 = arith.select %gt3A_721, %select_n3A_731, %select_n3A_704 : vector<16xi1>, vector<16xf32>
    %select_n3A_733 = arith.select %gt3A_720, %select_n3A_710, %broadcast_in_dim3A_723 : vector<16xi1>, vector<16xf32>
    %select_n3A_734 = arith.select %gt3A_721, %select_n3A_733, %select_n3A_706 : vector<16xi1>, vector<16xf32>
    %select_n3A_735 = arith.select %gt3A_720, %select_n3A_711, %broadcast_in_dim3A_724 : vector<16xi1>, vector<16xf32>
    %select_n3A_736 = arith.select %gt3A_721, %select_n3A_735, %select_n3A_708 : vector<16xi1>, vector<16xf32>
    %select_n3A_737 = arith.select %gt3A_720, %max3A_719, %select_n3A_709 : vector<16xi1>, vector<16xf32>
    %select_n3A_738 = arith.select %gt3A_720, %broadcast_in_dim3A_723, %select_n3A_710 : vector<16xi1>, vector<16xf32>
    %select_n3A_739 = arith.select %gt3A_720, %broadcast_in_dim3A_724, %select_n3A_711 : vector<16xi1>, vector<16xf32>
    %min3A_740 = vector.broadcast %min3A_123 : f32 to vector<16xf32>
    %min3A_741 = arith.minimumf %min3A_740, %add3A_568 : vector<16xf32>
    %max3A_742 = vector.broadcast %min3A_117 : f32 to vector<16xf32>
    %max3A_743 = arith.maximumf %max3A_742, %mul3A_565 : vector<16xf32>
    %sub3A_744 = arith.subf %min3A_741, %max3A_743 : vector<16xf32>
    %max3A_745 = arith.constant 0.000000e+00 : f32
    %max3A_746 = vector.broadcast %max3A_745 : f32 to vector<16xf32>
    %max3A_747 = arith.maximumf %sub3A_744, %max3A_746 : vector<16xf32>
    %gt3A_748 = arith.cmpf ogt, %max3A_747, %select_n3A_737 : vector<16xf32>
    %gt3A_749 = arith.cmpf ogt, %max3A_747, %select_n3A_732 : vector<16xf32>
    %gt3A_750 = arith.cmpf ogt, %max3A_747, %select_n3A_726 : vector<16xf32>
    %broadcast_in_dim3A_751 = vector.broadcast %min3A_117 : f32 to vector<16xf32>
    %broadcast_in_dim3A_752 = vector.broadcast %min3A_123 : f32 to vector<16xf32>
    %select_n3A_753 = arith.select %gt3A_749, %select_n3A_732, %max3A_747 : vector<16xi1>, vector<16xf32>
    %select_n3A_754 = arith.select %gt3A_750, %select_n3A_753, %select_n3A_726 : vector<16xi1>, vector<16xf32>
    %select_n3A_755 = arith.select %gt3A_749, %select_n3A_734, %broadcast_in_dim3A_751 : vector<16xi1>, vector<16xf32>
    %select_n3A_756 = arith.select %gt3A_750, %select_n3A_755, %select_n3A_728 : vector<16xi1>, vector<16xf32>
    %select_n3A_757 = arith.select %gt3A_749, %select_n3A_736, %broadcast_in_dim3A_752 : vector<16xi1>, vector<16xf32>
    %select_n3A_758 = arith.select %gt3A_750, %select_n3A_757, %select_n3A_730 : vector<16xi1>, vector<16xf32>
    %select_n3A_759 = arith.select %gt3A_748, %select_n3A_737, %max3A_747 : vector<16xi1>, vector<16xf32>
    %select_n3A_760 = arith.select %gt3A_749, %select_n3A_759, %select_n3A_732 : vector<16xi1>, vector<16xf32>
    %select_n3A_761 = arith.select %gt3A_748, %select_n3A_738, %broadcast_in_dim3A_751 : vector<16xi1>, vector<16xf32>
    %select_n3A_762 = arith.select %gt3A_749, %select_n3A_761, %select_n3A_734 : vector<16xi1>, vector<16xf32>
    %select_n3A_763 = arith.select %gt3A_748, %select_n3A_739, %broadcast_in_dim3A_752 : vector<16xi1>, vector<16xf32>
    %select_n3A_764 = arith.select %gt3A_749, %select_n3A_763, %select_n3A_736 : vector<16xi1>, vector<16xf32>
    %select_n3A_765 = arith.select %gt3A_748, %max3A_747, %select_n3A_737 : vector<16xi1>, vector<16xf32>
    %select_n3A_766 = arith.select %gt3A_748, %broadcast_in_dim3A_751, %select_n3A_738 : vector<16xi1>, vector<16xf32>
    %select_n3A_767 = arith.select %gt3A_748, %broadcast_in_dim3A_752, %select_n3A_739 : vector<16xi1>, vector<16xf32>
    %min3A_768 = vector.broadcast %min3A_135 : f32 to vector<16xf32>
    %min3A_769 = arith.minimumf %min3A_768, %add3A_568 : vector<16xf32>
    %max3A_770 = vector.broadcast %min3A_129 : f32 to vector<16xf32>
    %max3A_771 = arith.maximumf %max3A_770, %mul3A_565 : vector<16xf32>
    %sub3A_772 = arith.subf %min3A_769, %max3A_771 : vector<16xf32>
    %max3A_773 = arith.constant 0.000000e+00 : f32
    %max3A_774 = vector.broadcast %max3A_773 : f32 to vector<16xf32>
    %max3A_775 = arith.maximumf %sub3A_772, %max3A_774 : vector<16xf32>
    %gt3A_776 = arith.cmpf ogt, %max3A_775, %select_n3A_765 : vector<16xf32>
    %gt3A_777 = arith.cmpf ogt, %max3A_775, %select_n3A_760 : vector<16xf32>
    %gt3A_778 = arith.cmpf ogt, %max3A_775, %select_n3A_754 : vector<16xf32>
    %broadcast_in_dim3A_779 = vector.broadcast %min3A_129 : f32 to vector<16xf32>
    %broadcast_in_dim3A_780 = vector.broadcast %min3A_135 : f32 to vector<16xf32>
    %select_n3A_781 = arith.select %gt3A_777, %select_n3A_760, %max3A_775 : vector<16xi1>, vector<16xf32>
    %select_n3A_782 = arith.select %gt3A_778, %select_n3A_781, %select_n3A_754 : vector<16xi1>, vector<16xf32>
    %select_n3A_783 = arith.select %gt3A_777, %select_n3A_762, %broadcast_in_dim3A_779 : vector<16xi1>, vector<16xf32>
    %select_n3A_784 = arith.select %gt3A_778, %select_n3A_783, %select_n3A_756 : vector<16xi1>, vector<16xf32>
    %select_n3A_785 = arith.select %gt3A_777, %select_n3A_764, %broadcast_in_dim3A_780 : vector<16xi1>, vector<16xf32>
    %select_n3A_786 = arith.select %gt3A_778, %select_n3A_785, %select_n3A_758 : vector<16xi1>, vector<16xf32>
    %select_n3A_787 = arith.select %gt3A_776, %select_n3A_765, %max3A_775 : vector<16xi1>, vector<16xf32>
    %select_n3A_788 = arith.select %gt3A_777, %select_n3A_787, %select_n3A_760 : vector<16xi1>, vector<16xf32>
    %select_n3A_789 = arith.select %gt3A_776, %select_n3A_766, %broadcast_in_dim3A_779 : vector<16xi1>, vector<16xf32>
    %select_n3A_790 = arith.select %gt3A_777, %select_n3A_789, %select_n3A_762 : vector<16xi1>, vector<16xf32>
    %select_n3A_791 = arith.select %gt3A_776, %select_n3A_767, %broadcast_in_dim3A_780 : vector<16xi1>, vector<16xf32>
    %select_n3A_792 = arith.select %gt3A_777, %select_n3A_791, %select_n3A_764 : vector<16xi1>, vector<16xf32>
    %select_n3A_793 = arith.select %gt3A_776, %max3A_775, %select_n3A_765 : vector<16xi1>, vector<16xf32>
    %select_n3A_794 = arith.select %gt3A_776, %broadcast_in_dim3A_779, %select_n3A_766 : vector<16xi1>, vector<16xf32>
    %select_n3A_795 = arith.select %gt3A_776, %broadcast_in_dim3A_780, %select_n3A_767 : vector<16xi1>, vector<16xf32>
    %min3A_796 = vector.broadcast %min3A_147 : f32 to vector<16xf32>
    %min3A_797 = arith.minimumf %min3A_796, %add3A_568 : vector<16xf32>
    %max3A_798 = vector.broadcast %min3A_141 : f32 to vector<16xf32>
    %max3A_799 = arith.maximumf %max3A_798, %mul3A_565 : vector<16xf32>
    %sub3A_800 = arith.subf %min3A_797, %max3A_799 : vector<16xf32>
    %max3A_801 = arith.constant 0.000000e+00 : f32
    %max3A_802 = vector.broadcast %max3A_801 : f32 to vector<16xf32>
    %max3A_803 = arith.maximumf %sub3A_800, %max3A_802 : vector<16xf32>
    %gt3A_804 = arith.cmpf ogt, %max3A_803, %select_n3A_793 : vector<16xf32>
    %gt3A_805 = arith.cmpf ogt, %max3A_803, %select_n3A_788 : vector<16xf32>
    %gt3A_806 = arith.cmpf ogt, %max3A_803, %select_n3A_782 : vector<16xf32>
    %broadcast_in_dim3A_807 = vector.broadcast %min3A_141 : f32 to vector<16xf32>
    %broadcast_in_dim3A_808 = vector.broadcast %min3A_147 : f32 to vector<16xf32>
    %select_n3A_809 = arith.select %gt3A_805, %select_n3A_788, %max3A_803 : vector<16xi1>, vector<16xf32>
    %select_n3A_810 = arith.select %gt3A_806, %select_n3A_809, %select_n3A_782 : vector<16xi1>, vector<16xf32>
    %select_n3A_811 = arith.select %gt3A_805, %select_n3A_790, %broadcast_in_dim3A_807 : vector<16xi1>, vector<16xf32>
    %select_n3A_812 = arith.select %gt3A_806, %select_n3A_811, %select_n3A_784 : vector<16xi1>, vector<16xf32>
    %select_n3A_813 = arith.select %gt3A_805, %select_n3A_792, %broadcast_in_dim3A_808 : vector<16xi1>, vector<16xf32>
    %select_n3A_814 = arith.select %gt3A_806, %select_n3A_813, %select_n3A_786 : vector<16xi1>, vector<16xf32>
    %select_n3A_815 = arith.select %gt3A_804, %select_n3A_793, %max3A_803 : vector<16xi1>, vector<16xf32>
    %select_n3A_816 = arith.select %gt3A_805, %select_n3A_815, %select_n3A_788 : vector<16xi1>, vector<16xf32>
    %select_n3A_817 = arith.select %gt3A_804, %select_n3A_794, %broadcast_in_dim3A_807 : vector<16xi1>, vector<16xf32>
    %select_n3A_818 = arith.select %gt3A_805, %select_n3A_817, %select_n3A_790 : vector<16xi1>, vector<16xf32>
    %select_n3A_819 = arith.select %gt3A_804, %select_n3A_795, %broadcast_in_dim3A_808 : vector<16xi1>, vector<16xf32>
    %select_n3A_820 = arith.select %gt3A_805, %select_n3A_819, %select_n3A_792 : vector<16xi1>, vector<16xf32>
    %select_n3A_821 = arith.select %gt3A_804, %max3A_803, %select_n3A_793 : vector<16xi1>, vector<16xf32>
    %select_n3A_822 = arith.select %gt3A_804, %broadcast_in_dim3A_807, %select_n3A_794 : vector<16xi1>, vector<16xf32>
    %select_n3A_823 = arith.select %gt3A_804, %broadcast_in_dim3A_808, %select_n3A_795 : vector<16xi1>, vector<16xf32>
    %min3A_824 = vector.broadcast %min3A_159 : f32 to vector<16xf32>
    %min3A_825 = arith.minimumf %min3A_824, %add3A_568 : vector<16xf32>
    %max3A_826 = vector.broadcast %min3A_153 : f32 to vector<16xf32>
    %max3A_827 = arith.maximumf %max3A_826, %mul3A_565 : vector<16xf32>
    %sub3A_828 = arith.subf %min3A_825, %max3A_827 : vector<16xf32>
    %max3A_829 = arith.constant 0.000000e+00 : f32
    %max3A_830 = vector.broadcast %max3A_829 : f32 to vector<16xf32>
    %max3A_831 = arith.maximumf %sub3A_828, %max3A_830 : vector<16xf32>
    %gt3A_832 = arith.cmpf ogt, %max3A_831, %select_n3A_821 : vector<16xf32>
    %gt3A_833 = arith.cmpf ogt, %max3A_831, %select_n3A_816 : vector<16xf32>
    %gt3A_834 = arith.cmpf ogt, %max3A_831, %select_n3A_810 : vector<16xf32>
    %broadcast_in_dim3A_835 = vector.broadcast %min3A_153 : f32 to vector<16xf32>
    %broadcast_in_dim3A_836 = vector.broadcast %min3A_159 : f32 to vector<16xf32>
    %select_n3A_837 = arith.select %gt3A_833, %select_n3A_816, %max3A_831 : vector<16xi1>, vector<16xf32>
    %select_n3A_838 = arith.select %gt3A_834, %select_n3A_837, %select_n3A_810 : vector<16xi1>, vector<16xf32>
    %select_n3A_839 = arith.select %gt3A_833, %select_n3A_818, %broadcast_in_dim3A_835 : vector<16xi1>, vector<16xf32>
    %select_n3A_840 = arith.select %gt3A_834, %select_n3A_839, %select_n3A_812 : vector<16xi1>, vector<16xf32>
    %select_n3A_841 = arith.select %gt3A_833, %select_n3A_820, %broadcast_in_dim3A_836 : vector<16xi1>, vector<16xf32>
    %select_n3A_842 = arith.select %gt3A_834, %select_n3A_841, %select_n3A_814 : vector<16xi1>, vector<16xf32>
    %select_n3A_843 = arith.select %gt3A_832, %select_n3A_821, %max3A_831 : vector<16xi1>, vector<16xf32>
    %select_n3A_844 = arith.select %gt3A_833, %select_n3A_843, %select_n3A_816 : vector<16xi1>, vector<16xf32>
    %select_n3A_845 = arith.select %gt3A_832, %select_n3A_822, %broadcast_in_dim3A_835 : vector<16xi1>, vector<16xf32>
    %select_n3A_846 = arith.select %gt3A_833, %select_n3A_845, %select_n3A_818 : vector<16xi1>, vector<16xf32>
    %select_n3A_847 = arith.select %gt3A_832, %select_n3A_823, %broadcast_in_dim3A_836 : vector<16xi1>, vector<16xf32>
    %select_n3A_848 = arith.select %gt3A_833, %select_n3A_847, %select_n3A_820 : vector<16xi1>, vector<16xf32>
    %select_n3A_849 = arith.select %gt3A_832, %max3A_831, %select_n3A_821 : vector<16xi1>, vector<16xf32>
    %select_n3A_850 = arith.select %gt3A_832, %broadcast_in_dim3A_835, %select_n3A_822 : vector<16xi1>, vector<16xf32>
    %select_n3A_851 = arith.select %gt3A_832, %broadcast_in_dim3A_836, %select_n3A_823 : vector<16xi1>, vector<16xf32>
    %min3A_852 = vector.broadcast %min3A_171 : f32 to vector<16xf32>
    %min3A_853 = arith.minimumf %min3A_852, %add3A_568 : vector<16xf32>
    %max3A_854 = vector.broadcast %min3A_165 : f32 to vector<16xf32>
    %max3A_855 = arith.maximumf %max3A_854, %mul3A_565 : vector<16xf32>
    %sub3A_856 = arith.subf %min3A_853, %max3A_855 : vector<16xf32>
    %max3A_857 = arith.constant 0.000000e+00 : f32
    %max3A_858 = vector.broadcast %max3A_857 : f32 to vector<16xf32>
    %max3A_859 = arith.maximumf %sub3A_856, %max3A_858 : vector<16xf32>
    %gt3A_860 = arith.cmpf ogt, %max3A_859, %select_n3A_849 : vector<16xf32>
    %gt3A_861 = arith.cmpf ogt, %max3A_859, %select_n3A_844 : vector<16xf32>
    %gt3A_862 = arith.cmpf ogt, %max3A_859, %select_n3A_838 : vector<16xf32>
    %broadcast_in_dim3A_863 = vector.broadcast %min3A_165 : f32 to vector<16xf32>
    %broadcast_in_dim3A_864 = vector.broadcast %min3A_171 : f32 to vector<16xf32>
    %select_n3A_865 = arith.select %gt3A_861, %select_n3A_844, %max3A_859 : vector<16xi1>, vector<16xf32>
    %select_n3A_866 = arith.select %gt3A_862, %select_n3A_865, %select_n3A_838 : vector<16xi1>, vector<16xf32>
    %select_n3A_867 = arith.select %gt3A_861, %select_n3A_846, %broadcast_in_dim3A_863 : vector<16xi1>, vector<16xf32>
    %select_n3A_868 = arith.select %gt3A_862, %select_n3A_867, %select_n3A_840 : vector<16xi1>, vector<16xf32>
    %select_n3A_869 = arith.select %gt3A_861, %select_n3A_848, %broadcast_in_dim3A_864 : vector<16xi1>, vector<16xf32>
    %select_n3A_870 = arith.select %gt3A_862, %select_n3A_869, %select_n3A_842 : vector<16xi1>, vector<16xf32>
    %select_n3A_871 = arith.select %gt3A_860, %select_n3A_849, %max3A_859 : vector<16xi1>, vector<16xf32>
    %select_n3A_872 = arith.select %gt3A_861, %select_n3A_871, %select_n3A_844 : vector<16xi1>, vector<16xf32>
    %select_n3A_873 = arith.select %gt3A_860, %select_n3A_850, %broadcast_in_dim3A_863 : vector<16xi1>, vector<16xf32>
    %select_n3A_874 = arith.select %gt3A_861, %select_n3A_873, %select_n3A_846 : vector<16xi1>, vector<16xf32>
    %select_n3A_875 = arith.select %gt3A_860, %select_n3A_851, %broadcast_in_dim3A_864 : vector<16xi1>, vector<16xf32>
    %select_n3A_876 = arith.select %gt3A_861, %select_n3A_875, %select_n3A_848 : vector<16xi1>, vector<16xf32>
    %select_n3A_877 = arith.select %gt3A_860, %max3A_859, %select_n3A_849 : vector<16xi1>, vector<16xf32>
    %select_n3A_878 = arith.select %gt3A_860, %broadcast_in_dim3A_863, %select_n3A_850 : vector<16xi1>, vector<16xf32>
    %select_n3A_879 = arith.select %gt3A_860, %broadcast_in_dim3A_864, %select_n3A_851 : vector<16xi1>, vector<16xf32>
    %min3A_880 = vector.broadcast %min3A_183 : f32 to vector<16xf32>
    %min3A_881 = arith.minimumf %min3A_880, %add3A_568 : vector<16xf32>
    %max3A_882 = vector.broadcast %min3A_177 : f32 to vector<16xf32>
    %max3A_883 = arith.maximumf %max3A_882, %mul3A_565 : vector<16xf32>
    %sub3A_884 = arith.subf %min3A_881, %max3A_883 : vector<16xf32>
    %max3A_885 = arith.constant 0.000000e+00 : f32
    %max3A_886 = vector.broadcast %max3A_885 : f32 to vector<16xf32>
    %max3A_887 = arith.maximumf %sub3A_884, %max3A_886 : vector<16xf32>
    %gt3A_888 = arith.cmpf ogt, %max3A_887, %select_n3A_877 : vector<16xf32>
    %gt3A_889 = arith.cmpf ogt, %max3A_887, %select_n3A_872 : vector<16xf32>
    %gt3A_890 = arith.cmpf ogt, %max3A_887, %select_n3A_866 : vector<16xf32>
    %broadcast_in_dim3A_891 = vector.broadcast %min3A_177 : f32 to vector<16xf32>
    %broadcast_in_dim3A_892 = vector.broadcast %min3A_183 : f32 to vector<16xf32>
    %select_n3A_893 = arith.select %gt3A_889, %select_n3A_872, %max3A_887 : vector<16xi1>, vector<16xf32>
    %select_n3A_894 = arith.select %gt3A_890, %select_n3A_893, %select_n3A_866 : vector<16xi1>, vector<16xf32>
    %select_n3A_895 = arith.select %gt3A_889, %select_n3A_874, %broadcast_in_dim3A_891 : vector<16xi1>, vector<16xf32>
    %select_n3A_896 = arith.select %gt3A_890, %select_n3A_895, %select_n3A_868 : vector<16xi1>, vector<16xf32>
    %select_n3A_897 = arith.select %gt3A_889, %select_n3A_876, %broadcast_in_dim3A_892 : vector<16xi1>, vector<16xf32>
    %select_n3A_898 = arith.select %gt3A_890, %select_n3A_897, %select_n3A_870 : vector<16xi1>, vector<16xf32>
    %select_n3A_899 = arith.select %gt3A_888, %select_n3A_877, %max3A_887 : vector<16xi1>, vector<16xf32>
    %select_n3A_900 = arith.select %gt3A_889, %select_n3A_899, %select_n3A_872 : vector<16xi1>, vector<16xf32>
    %select_n3A_901 = arith.select %gt3A_888, %select_n3A_878, %broadcast_in_dim3A_891 : vector<16xi1>, vector<16xf32>
    %select_n3A_902 = arith.select %gt3A_889, %select_n3A_901, %select_n3A_874 : vector<16xi1>, vector<16xf32>
    %select_n3A_903 = arith.select %gt3A_888, %select_n3A_879, %broadcast_in_dim3A_892 : vector<16xi1>, vector<16xf32>
    %select_n3A_904 = arith.select %gt3A_889, %select_n3A_903, %select_n3A_876 : vector<16xi1>, vector<16xf32>
    %select_n3A_905 = arith.select %gt3A_888, %max3A_887, %select_n3A_877 : vector<16xi1>, vector<16xf32>
    %select_n3A_906 = arith.select %gt3A_888, %broadcast_in_dim3A_891, %select_n3A_878 : vector<16xi1>, vector<16xf32>
    %select_n3A_907 = arith.select %gt3A_888, %broadcast_in_dim3A_892, %select_n3A_879 : vector<16xi1>, vector<16xf32>
    %min3A_908 = vector.broadcast %min3A_195 : f32 to vector<16xf32>
    %min3A_909 = arith.minimumf %min3A_908, %add3A_568 : vector<16xf32>
    %max3A_910 = vector.broadcast %min3A_189 : f32 to vector<16xf32>
    %max3A_911 = arith.maximumf %max3A_910, %mul3A_565 : vector<16xf32>
    %sub3A_912 = arith.subf %min3A_909, %max3A_911 : vector<16xf32>
    %max3A_913 = arith.constant 0.000000e+00 : f32
    %max3A_914 = vector.broadcast %max3A_913 : f32 to vector<16xf32>
    %max3A_915 = arith.maximumf %sub3A_912, %max3A_914 : vector<16xf32>
    %gt3A_916 = arith.cmpf ogt, %max3A_915, %select_n3A_905 : vector<16xf32>
    %gt3A_917 = arith.cmpf ogt, %max3A_915, %select_n3A_900 : vector<16xf32>
    %gt3A_918 = arith.cmpf ogt, %max3A_915, %select_n3A_894 : vector<16xf32>
    %broadcast_in_dim3A_919 = vector.broadcast %min3A_189 : f32 to vector<16xf32>
    %broadcast_in_dim3A_920 = vector.broadcast %min3A_195 : f32 to vector<16xf32>
    %select_n3A_921 = arith.select %gt3A_917, %select_n3A_900, %max3A_915 : vector<16xi1>, vector<16xf32>
    %select_n3A_922 = arith.select %gt3A_918, %select_n3A_921, %select_n3A_894 : vector<16xi1>, vector<16xf32>
    %select_n3A_923 = arith.select %gt3A_917, %select_n3A_902, %broadcast_in_dim3A_919 : vector<16xi1>, vector<16xf32>
    %select_n3A_924 = arith.select %gt3A_918, %select_n3A_923, %select_n3A_896 : vector<16xi1>, vector<16xf32>
    %select_n3A_925 = arith.select %gt3A_917, %select_n3A_904, %broadcast_in_dim3A_920 : vector<16xi1>, vector<16xf32>
    %select_n3A_926 = arith.select %gt3A_918, %select_n3A_925, %select_n3A_898 : vector<16xi1>, vector<16xf32>
    %select_n3A_927 = arith.select %gt3A_916, %select_n3A_905, %max3A_915 : vector<16xi1>, vector<16xf32>
    %select_n3A_928 = arith.select %gt3A_917, %select_n3A_927, %select_n3A_900 : vector<16xi1>, vector<16xf32>
    %select_n3A_929 = arith.select %gt3A_916, %select_n3A_906, %broadcast_in_dim3A_919 : vector<16xi1>, vector<16xf32>
    %select_n3A_930 = arith.select %gt3A_917, %select_n3A_929, %select_n3A_902 : vector<16xi1>, vector<16xf32>
    %select_n3A_931 = arith.select %gt3A_916, %select_n3A_907, %broadcast_in_dim3A_920 : vector<16xi1>, vector<16xf32>
    %select_n3A_932 = arith.select %gt3A_917, %select_n3A_931, %select_n3A_904 : vector<16xi1>, vector<16xf32>
    %select_n3A_933 = arith.select %gt3A_916, %max3A_915, %select_n3A_905 : vector<16xi1>, vector<16xf32>
    %select_n3A_934 = arith.select %gt3A_916, %broadcast_in_dim3A_919, %select_n3A_906 : vector<16xi1>, vector<16xf32>
    %select_n3A_935 = arith.select %gt3A_916, %broadcast_in_dim3A_920, %select_n3A_907 : vector<16xi1>, vector<16xf32>
    %min3A_936 = vector.broadcast %min3A_207 : f32 to vector<16xf32>
    %min3A_937 = arith.minimumf %min3A_936, %add3A_568 : vector<16xf32>
    %max3A_938 = vector.broadcast %min3A_201 : f32 to vector<16xf32>
    %max3A_939 = arith.maximumf %max3A_938, %mul3A_565 : vector<16xf32>
    %sub3A_940 = arith.subf %min3A_937, %max3A_939 : vector<16xf32>
    %max3A_941 = arith.constant 0.000000e+00 : f32
    %max3A_942 = vector.broadcast %max3A_941 : f32 to vector<16xf32>
    %max3A_943 = arith.maximumf %sub3A_940, %max3A_942 : vector<16xf32>
    %gt3A_944 = arith.cmpf ogt, %max3A_943, %select_n3A_933 : vector<16xf32>
    %gt3A_945 = arith.cmpf ogt, %max3A_943, %select_n3A_928 : vector<16xf32>
    %gt3A_946 = arith.cmpf ogt, %max3A_943, %select_n3A_922 : vector<16xf32>
    %broadcast_in_dim3A_947 = vector.broadcast %min3A_201 : f32 to vector<16xf32>
    %broadcast_in_dim3A_948 = vector.broadcast %min3A_207 : f32 to vector<16xf32>
    %select_n3A_949 = arith.select %gt3A_945, %select_n3A_928, %max3A_943 : vector<16xi1>, vector<16xf32>
    %select_n3A_950 = arith.select %gt3A_946, %select_n3A_949, %select_n3A_922 : vector<16xi1>, vector<16xf32>
    %select_n3A_951 = arith.select %gt3A_945, %select_n3A_930, %broadcast_in_dim3A_947 : vector<16xi1>, vector<16xf32>
    %select_n3A_952 = arith.select %gt3A_946, %select_n3A_951, %select_n3A_924 : vector<16xi1>, vector<16xf32>
    %select_n3A_953 = arith.select %gt3A_945, %select_n3A_932, %broadcast_in_dim3A_948 : vector<16xi1>, vector<16xf32>
    %select_n3A_954 = arith.select %gt3A_946, %select_n3A_953, %select_n3A_926 : vector<16xi1>, vector<16xf32>
    %select_n3A_955 = arith.select %gt3A_944, %select_n3A_933, %max3A_943 : vector<16xi1>, vector<16xf32>
    %select_n3A_956 = arith.select %gt3A_945, %select_n3A_955, %select_n3A_928 : vector<16xi1>, vector<16xf32>
    %select_n3A_957 = arith.select %gt3A_944, %select_n3A_934, %broadcast_in_dim3A_947 : vector<16xi1>, vector<16xf32>
    %select_n3A_958 = arith.select %gt3A_945, %select_n3A_957, %select_n3A_930 : vector<16xi1>, vector<16xf32>
    %select_n3A_959 = arith.select %gt3A_944, %select_n3A_935, %broadcast_in_dim3A_948 : vector<16xi1>, vector<16xf32>
    %select_n3A_960 = arith.select %gt3A_945, %select_n3A_959, %select_n3A_932 : vector<16xi1>, vector<16xf32>
    %select_n3A_961 = arith.select %gt3A_944, %max3A_943, %select_n3A_933 : vector<16xi1>, vector<16xf32>
    %select_n3A_962 = arith.select %gt3A_944, %broadcast_in_dim3A_947, %select_n3A_934 : vector<16xi1>, vector<16xf32>
    %select_n3A_963 = arith.select %gt3A_944, %broadcast_in_dim3A_948, %select_n3A_935 : vector<16xi1>, vector<16xf32>
    %min3A_964 = vector.broadcast %min3A_219 : f32 to vector<16xf32>
    %min3A_965 = arith.minimumf %min3A_964, %add3A_568 : vector<16xf32>
    %max3A_966 = vector.broadcast %min3A_213 : f32 to vector<16xf32>
    %max3A_967 = arith.maximumf %max3A_966, %mul3A_565 : vector<16xf32>
    %sub3A_968 = arith.subf %min3A_965, %max3A_967 : vector<16xf32>
    %max3A_969 = arith.constant 0.000000e+00 : f32
    %max3A_970 = vector.broadcast %max3A_969 : f32 to vector<16xf32>
    %max3A_971 = arith.maximumf %sub3A_968, %max3A_970 : vector<16xf32>
    %gt3A_972 = arith.cmpf ogt, %max3A_971, %select_n3A_961 : vector<16xf32>
    %gt3A_973 = arith.cmpf ogt, %max3A_971, %select_n3A_956 : vector<16xf32>
    %gt3A_974 = arith.cmpf ogt, %max3A_971, %select_n3A_950 : vector<16xf32>
    %broadcast_in_dim3A_975 = vector.broadcast %min3A_213 : f32 to vector<16xf32>
    %broadcast_in_dim3A_976 = vector.broadcast %min3A_219 : f32 to vector<16xf32>
    %select_n3A_977 = arith.select %gt3A_973, %select_n3A_956, %max3A_971 : vector<16xi1>, vector<16xf32>
    %select_n3A_978 = arith.select %gt3A_974, %select_n3A_977, %select_n3A_950 : vector<16xi1>, vector<16xf32>
    %select_n3A_979 = arith.select %gt3A_973, %select_n3A_958, %broadcast_in_dim3A_975 : vector<16xi1>, vector<16xf32>
    %select_n3A_980 = arith.select %gt3A_974, %select_n3A_979, %select_n3A_952 : vector<16xi1>, vector<16xf32>
    %select_n3A_981 = arith.select %gt3A_973, %select_n3A_960, %broadcast_in_dim3A_976 : vector<16xi1>, vector<16xf32>
    %select_n3A_982 = arith.select %gt3A_974, %select_n3A_981, %select_n3A_954 : vector<16xi1>, vector<16xf32>
    %select_n3A_983 = arith.select %gt3A_972, %select_n3A_961, %max3A_971 : vector<16xi1>, vector<16xf32>
    %select_n3A_984 = arith.select %gt3A_973, %select_n3A_983, %select_n3A_956 : vector<16xi1>, vector<16xf32>
    %select_n3A_985 = arith.select %gt3A_972, %select_n3A_962, %broadcast_in_dim3A_975 : vector<16xi1>, vector<16xf32>
    %select_n3A_986 = arith.select %gt3A_973, %select_n3A_985, %select_n3A_958 : vector<16xi1>, vector<16xf32>
    %select_n3A_987 = arith.select %gt3A_972, %select_n3A_963, %broadcast_in_dim3A_976 : vector<16xi1>, vector<16xf32>
    %select_n3A_988 = arith.select %gt3A_973, %select_n3A_987, %select_n3A_960 : vector<16xi1>, vector<16xf32>
    %select_n3A_989 = arith.select %gt3A_972, %max3A_971, %select_n3A_961 : vector<16xi1>, vector<16xf32>
    %select_n3A_990 = arith.select %gt3A_972, %broadcast_in_dim3A_975, %select_n3A_962 : vector<16xi1>, vector<16xf32>
    %select_n3A_991 = arith.select %gt3A_972, %broadcast_in_dim3A_976, %select_n3A_963 : vector<16xi1>, vector<16xf32>
    %min3A_992 = vector.broadcast %min3A_231 : f32 to vector<16xf32>
    %min3A_993 = arith.minimumf %min3A_992, %add3A_568 : vector<16xf32>
    %max3A_994 = vector.broadcast %min3A_225 : f32 to vector<16xf32>
    %max3A_995 = arith.maximumf %max3A_994, %mul3A_565 : vector<16xf32>
    %sub3A_996 = arith.subf %min3A_993, %max3A_995 : vector<16xf32>
    %max3A_997 = arith.constant 0.000000e+00 : f32
    %max3A_998 = vector.broadcast %max3A_997 : f32 to vector<16xf32>
    %max3A_999 = arith.maximumf %sub3A_996, %max3A_998 : vector<16xf32>
    %gt3A_1000 = arith.cmpf ogt, %max3A_999, %select_n3A_989 : vector<16xf32>
    %gt3A_1001 = arith.cmpf ogt, %max3A_999, %select_n3A_984 : vector<16xf32>
    %gt3A_1002 = arith.cmpf ogt, %max3A_999, %select_n3A_978 : vector<16xf32>
    %broadcast_in_dim3A_1003 = vector.broadcast %min3A_225 : f32 to vector<16xf32>
    %broadcast_in_dim3A_1004 = vector.broadcast %min3A_231 : f32 to vector<16xf32>
    %select_n3A_1005 = arith.select %gt3A_1001, %select_n3A_984, %max3A_999 : vector<16xi1>, vector<16xf32>
    %select_n3A_1006 = arith.select %gt3A_1002, %select_n3A_1005, %select_n3A_978 : vector<16xi1>, vector<16xf32>
    %select_n3A_1007 = arith.select %gt3A_1001, %select_n3A_986, %broadcast_in_dim3A_1003 : vector<16xi1>, vector<16xf32>
    %select_n3A_1008 = arith.select %gt3A_1002, %select_n3A_1007, %select_n3A_980 : vector<16xi1>, vector<16xf32>
    %select_n3A_1009 = arith.select %gt3A_1001, %select_n3A_988, %broadcast_in_dim3A_1004 : vector<16xi1>, vector<16xf32>
    %select_n3A_1010 = arith.select %gt3A_1002, %select_n3A_1009, %select_n3A_982 : vector<16xi1>, vector<16xf32>
    %select_n3A_1011 = arith.select %gt3A_1000, %select_n3A_989, %max3A_999 : vector<16xi1>, vector<16xf32>
    %select_n3A_1012 = arith.select %gt3A_1001, %select_n3A_1011, %select_n3A_984 : vector<16xi1>, vector<16xf32>
    %select_n3A_1013 = arith.select %gt3A_1000, %select_n3A_990, %broadcast_in_dim3A_1003 : vector<16xi1>, vector<16xf32>
    %select_n3A_1014 = arith.select %gt3A_1001, %select_n3A_1013, %select_n3A_986 : vector<16xi1>, vector<16xf32>
    %select_n3A_1015 = arith.select %gt3A_1000, %select_n3A_991, %broadcast_in_dim3A_1004 : vector<16xi1>, vector<16xf32>
    %select_n3A_1016 = arith.select %gt3A_1001, %select_n3A_1015, %select_n3A_988 : vector<16xi1>, vector<16xf32>
    %select_n3A_1017 = arith.select %gt3A_1000, %max3A_999, %select_n3A_989 : vector<16xi1>, vector<16xf32>
    %select_n3A_1018 = arith.select %gt3A_1000, %broadcast_in_dim3A_1003, %select_n3A_990 : vector<16xi1>, vector<16xf32>
    %select_n3A_1019 = arith.select %gt3A_1000, %broadcast_in_dim3A_1004, %select_n3A_991 : vector<16xi1>, vector<16xf32>
    %min3A_1020 = vector.broadcast %min3A_243 : f32 to vector<16xf32>
    %min3A_1021 = arith.minimumf %min3A_1020, %add3A_568 : vector<16xf32>
    %max3A_1022 = vector.broadcast %min3A_237 : f32 to vector<16xf32>
    %max3A_1023 = arith.maximumf %max3A_1022, %mul3A_565 : vector<16xf32>
    %sub3A_1024 = arith.subf %min3A_1021, %max3A_1023 : vector<16xf32>
    %max3A_1025 = arith.constant 0.000000e+00 : f32
    %max3A_1026 = vector.broadcast %max3A_1025 : f32 to vector<16xf32>
    %max3A_1027 = arith.maximumf %sub3A_1024, %max3A_1026 : vector<16xf32>
    %gt3A_1028 = arith.cmpf ogt, %max3A_1027, %select_n3A_1017 : vector<16xf32>
    %gt3A_1029 = arith.cmpf ogt, %max3A_1027, %select_n3A_1012 : vector<16xf32>
    %gt3A_1030 = arith.cmpf ogt, %max3A_1027, %select_n3A_1006 : vector<16xf32>
    %broadcast_in_dim3A_1031 = vector.broadcast %min3A_237 : f32 to vector<16xf32>
    %broadcast_in_dim3A_1032 = vector.broadcast %min3A_243 : f32 to vector<16xf32>
    %select_n3A_1033 = arith.select %gt3A_1029, %select_n3A_1012, %max3A_1027 : vector<16xi1>, vector<16xf32>
    %select_n3A_1034 = arith.select %gt3A_1030, %select_n3A_1033, %select_n3A_1006 : vector<16xi1>, vector<16xf32>
    %select_n3A_1035 = arith.select %gt3A_1029, %select_n3A_1014, %broadcast_in_dim3A_1031 : vector<16xi1>, vector<16xf32>
    %select_n3A_1036 = arith.select %gt3A_1030, %select_n3A_1035, %select_n3A_1008 : vector<16xi1>, vector<16xf32>
    %select_n3A_1037 = arith.select %gt3A_1029, %select_n3A_1016, %broadcast_in_dim3A_1032 : vector<16xi1>, vector<16xf32>
    %select_n3A_1038 = arith.select %gt3A_1030, %select_n3A_1037, %select_n3A_1010 : vector<16xi1>, vector<16xf32>
    %select_n3A_1039 = arith.select %gt3A_1028, %select_n3A_1017, %max3A_1027 : vector<16xi1>, vector<16xf32>
    %select_n3A_1040 = arith.select %gt3A_1029, %select_n3A_1039, %select_n3A_1012 : vector<16xi1>, vector<16xf32>
    %select_n3A_1041 = arith.select %gt3A_1028, %select_n3A_1018, %broadcast_in_dim3A_1031 : vector<16xi1>, vector<16xf32>
    %select_n3A_1042 = arith.select %gt3A_1029, %select_n3A_1041, %select_n3A_1014 : vector<16xi1>, vector<16xf32>
    %select_n3A_1043 = arith.select %gt3A_1028, %select_n3A_1019, %broadcast_in_dim3A_1032 : vector<16xi1>, vector<16xf32>
    %select_n3A_1044 = arith.select %gt3A_1029, %select_n3A_1043, %select_n3A_1016 : vector<16xi1>, vector<16xf32>
    %select_n3A_1045 = arith.select %gt3A_1028, %max3A_1027, %select_n3A_1017 : vector<16xi1>, vector<16xf32>
    %select_n3A_1046 = arith.select %gt3A_1028, %broadcast_in_dim3A_1031, %select_n3A_1018 : vector<16xi1>, vector<16xf32>
    %select_n3A_1047 = arith.select %gt3A_1028, %broadcast_in_dim3A_1032, %select_n3A_1019 : vector<16xi1>, vector<16xf32>
    %min3A_1048 = vector.broadcast %min3A_255 : f32 to vector<16xf32>
    %min3A_1049 = arith.minimumf %min3A_1048, %add3A_568 : vector<16xf32>
    %max3A_1050 = vector.broadcast %min3A_249 : f32 to vector<16xf32>
    %max3A_1051 = arith.maximumf %max3A_1050, %mul3A_565 : vector<16xf32>
    %sub3A_1052 = arith.subf %min3A_1049, %max3A_1051 : vector<16xf32>
    %max3A_1053 = arith.constant 0.000000e+00 : f32
    %max3A_1054 = vector.broadcast %max3A_1053 : f32 to vector<16xf32>
    %max3A_1055 = arith.maximumf %sub3A_1052, %max3A_1054 : vector<16xf32>
    %gt3A_1056 = arith.cmpf ogt, %max3A_1055, %select_n3A_1045 : vector<16xf32>
    %gt3A_1057 = arith.cmpf ogt, %max3A_1055, %select_n3A_1040 : vector<16xf32>
    %gt3A_1058 = arith.cmpf ogt, %max3A_1055, %select_n3A_1034 : vector<16xf32>
    %broadcast_in_dim3A_1059 = vector.broadcast %min3A_249 : f32 to vector<16xf32>
    %broadcast_in_dim3A_1060 = vector.broadcast %min3A_255 : f32 to vector<16xf32>
    %select_n3A_1061 = arith.select %gt3A_1057, %select_n3A_1040, %max3A_1055 : vector<16xi1>, vector<16xf32>
    %select_n3A_1062 = arith.select %gt3A_1058, %select_n3A_1061, %select_n3A_1034 : vector<16xi1>, vector<16xf32>
    %select_n3A_1063 = arith.select %gt3A_1057, %select_n3A_1042, %broadcast_in_dim3A_1059 : vector<16xi1>, vector<16xf32>
    %select_n3A_1064 = arith.select %gt3A_1058, %select_n3A_1063, %select_n3A_1036 : vector<16xi1>, vector<16xf32>
    %select_n3A_1065 = arith.select %gt3A_1057, %select_n3A_1044, %broadcast_in_dim3A_1060 : vector<16xi1>, vector<16xf32>
    %select_n3A_1066 = arith.select %gt3A_1058, %select_n3A_1065, %select_n3A_1038 : vector<16xi1>, vector<16xf32>
    %select_n3A_1067 = arith.select %gt3A_1056, %select_n3A_1045, %max3A_1055 : vector<16xi1>, vector<16xf32>
    %select_n3A_1068 = arith.select %gt3A_1057, %select_n3A_1067, %select_n3A_1040 : vector<16xi1>, vector<16xf32>
    %select_n3A_1069 = arith.select %gt3A_1056, %select_n3A_1046, %broadcast_in_dim3A_1059 : vector<16xi1>, vector<16xf32>
    %select_n3A_1070 = arith.select %gt3A_1057, %select_n3A_1069, %select_n3A_1042 : vector<16xi1>, vector<16xf32>
    %select_n3A_1071 = arith.select %gt3A_1056, %select_n3A_1047, %broadcast_in_dim3A_1060 : vector<16xi1>, vector<16xf32>
    %select_n3A_1072 = arith.select %gt3A_1057, %select_n3A_1071, %select_n3A_1044 : vector<16xi1>, vector<16xf32>
    %select_n3A_1073 = arith.select %gt3A_1056, %max3A_1055, %select_n3A_1045 : vector<16xi1>, vector<16xf32>
    %select_n3A_1074 = arith.select %gt3A_1056, %broadcast_in_dim3A_1059, %select_n3A_1046 : vector<16xi1>, vector<16xf32>
    %select_n3A_1075 = arith.select %gt3A_1056, %broadcast_in_dim3A_1060, %select_n3A_1047 : vector<16xi1>, vector<16xf32>
    %min3A_1076 = vector.broadcast %min3A_267 : f32 to vector<16xf32>
    %min3A_1077 = arith.minimumf %min3A_1076, %add3A_568 : vector<16xf32>
    %max3A_1078 = vector.broadcast %min3A_261 : f32 to vector<16xf32>
    %max3A_1079 = arith.maximumf %max3A_1078, %mul3A_565 : vector<16xf32>
    %sub3A_1080 = arith.subf %min3A_1077, %max3A_1079 : vector<16xf32>
    %max3A_1081 = arith.constant 0.000000e+00 : f32
    %max3A_1082 = vector.broadcast %max3A_1081 : f32 to vector<16xf32>
    %max3A_1083 = arith.maximumf %sub3A_1080, %max3A_1082 : vector<16xf32>
    %gt3A_1084 = arith.cmpf ogt, %max3A_1083, %select_n3A_1073 : vector<16xf32>
    %gt3A_1085 = arith.cmpf ogt, %max3A_1083, %select_n3A_1068 : vector<16xf32>
    %gt3A_1086 = arith.cmpf ogt, %max3A_1083, %select_n3A_1062 : vector<16xf32>
    %broadcast_in_dim3A_1087 = vector.broadcast %min3A_261 : f32 to vector<16xf32>
    %broadcast_in_dim3A_1088 = vector.broadcast %min3A_267 : f32 to vector<16xf32>
    %select_n3A_1089 = arith.select %gt3A_1085, %select_n3A_1068, %max3A_1083 : vector<16xi1>, vector<16xf32>
    %select_n3A_1090 = arith.select %gt3A_1086, %select_n3A_1089, %select_n3A_1062 : vector<16xi1>, vector<16xf32>
    %select_n3A_1091 = arith.select %gt3A_1085, %select_n3A_1070, %broadcast_in_dim3A_1087 : vector<16xi1>, vector<16xf32>
    %select_n3A_1092 = arith.select %gt3A_1086, %select_n3A_1091, %select_n3A_1064 : vector<16xi1>, vector<16xf32>
    %select_n3A_1093 = arith.select %gt3A_1085, %select_n3A_1072, %broadcast_in_dim3A_1088 : vector<16xi1>, vector<16xf32>
    %select_n3A_1094 = arith.select %gt3A_1086, %select_n3A_1093, %select_n3A_1066 : vector<16xi1>, vector<16xf32>
    %select_n3A_1095 = arith.select %gt3A_1084, %select_n3A_1073, %max3A_1083 : vector<16xi1>, vector<16xf32>
    %select_n3A_1096 = arith.select %gt3A_1085, %select_n3A_1095, %select_n3A_1068 : vector<16xi1>, vector<16xf32>
    %select_n3A_1097 = arith.select %gt3A_1084, %select_n3A_1074, %broadcast_in_dim3A_1087 : vector<16xi1>, vector<16xf32>
    %select_n3A_1098 = arith.select %gt3A_1085, %select_n3A_1097, %select_n3A_1070 : vector<16xi1>, vector<16xf32>
    %select_n3A_1099 = arith.select %gt3A_1084, %select_n3A_1075, %broadcast_in_dim3A_1088 : vector<16xi1>, vector<16xf32>
    %select_n3A_1100 = arith.select %gt3A_1085, %select_n3A_1099, %select_n3A_1072 : vector<16xi1>, vector<16xf32>
    %select_n3A_1101 = arith.select %gt3A_1084, %max3A_1083, %select_n3A_1073 : vector<16xi1>, vector<16xf32>
    %select_n3A_1102 = arith.select %gt3A_1084, %broadcast_in_dim3A_1087, %select_n3A_1074 : vector<16xi1>, vector<16xf32>
    %select_n3A_1103 = arith.select %gt3A_1084, %broadcast_in_dim3A_1088, %select_n3A_1075 : vector<16xi1>, vector<16xf32>
    %min3A_1104 = vector.broadcast %min3A_279 : f32 to vector<16xf32>
    %min3A_1105 = arith.minimumf %min3A_1104, %add3A_568 : vector<16xf32>
    %max3A_1106 = vector.broadcast %min3A_273 : f32 to vector<16xf32>
    %max3A_1107 = arith.maximumf %max3A_1106, %mul3A_565 : vector<16xf32>
    %sub3A_1108 = arith.subf %min3A_1105, %max3A_1107 : vector<16xf32>
    %max3A_1109 = arith.constant 0.000000e+00 : f32
    %max3A_1110 = vector.broadcast %max3A_1109 : f32 to vector<16xf32>
    %max3A_1111 = arith.maximumf %sub3A_1108, %max3A_1110 : vector<16xf32>
    %gt3A_1112 = arith.cmpf ogt, %max3A_1111, %select_n3A_1101 : vector<16xf32>
    %gt3A_1113 = arith.cmpf ogt, %max3A_1111, %select_n3A_1096 : vector<16xf32>
    %gt3A_1114 = arith.cmpf ogt, %max3A_1111, %select_n3A_1090 : vector<16xf32>
    %broadcast_in_dim3A_1115 = vector.broadcast %min3A_273 : f32 to vector<16xf32>
    %broadcast_in_dim3A_1116 = vector.broadcast %min3A_279 : f32 to vector<16xf32>
    %select_n3A_1117 = arith.select %gt3A_1113, %select_n3A_1096, %max3A_1111 : vector<16xi1>, vector<16xf32>
    %select_n3A_1118 = arith.select %gt3A_1114, %select_n3A_1117, %select_n3A_1090 : vector<16xi1>, vector<16xf32>
    %select_n3A_1119 = arith.select %gt3A_1113, %select_n3A_1098, %broadcast_in_dim3A_1115 : vector<16xi1>, vector<16xf32>
    %select_n3A_1120 = arith.select %gt3A_1114, %select_n3A_1119, %select_n3A_1092 : vector<16xi1>, vector<16xf32>
    %select_n3A_1121 = arith.select %gt3A_1113, %select_n3A_1100, %broadcast_in_dim3A_1116 : vector<16xi1>, vector<16xf32>
    %select_n3A_1122 = arith.select %gt3A_1114, %select_n3A_1121, %select_n3A_1094 : vector<16xi1>, vector<16xf32>
    %select_n3A_1123 = arith.select %gt3A_1112, %select_n3A_1101, %max3A_1111 : vector<16xi1>, vector<16xf32>
    %select_n3A_1124 = arith.select %gt3A_1113, %select_n3A_1123, %select_n3A_1096 : vector<16xi1>, vector<16xf32>
    %select_n3A_1125 = arith.select %gt3A_1112, %select_n3A_1102, %broadcast_in_dim3A_1115 : vector<16xi1>, vector<16xf32>
    %select_n3A_1126 = arith.select %gt3A_1113, %select_n3A_1125, %select_n3A_1098 : vector<16xi1>, vector<16xf32>
    %select_n3A_1127 = arith.select %gt3A_1112, %select_n3A_1103, %broadcast_in_dim3A_1116 : vector<16xi1>, vector<16xf32>
    %select_n3A_1128 = arith.select %gt3A_1113, %select_n3A_1127, %select_n3A_1100 : vector<16xi1>, vector<16xf32>
    %select_n3A_1129 = arith.select %gt3A_1112, %max3A_1111, %select_n3A_1101 : vector<16xi1>, vector<16xf32>
    %select_n3A_1130 = arith.select %gt3A_1112, %broadcast_in_dim3A_1115, %select_n3A_1102 : vector<16xi1>, vector<16xf32>
    %select_n3A_1131 = arith.select %gt3A_1112, %broadcast_in_dim3A_1116, %select_n3A_1103 : vector<16xi1>, vector<16xf32>
    %min3A_1132 = vector.broadcast %min3A_291 : f32 to vector<16xf32>
    %min3A_1133 = arith.minimumf %min3A_1132, %add3A_568 : vector<16xf32>
    %max3A_1134 = vector.broadcast %min3A_285 : f32 to vector<16xf32>
    %max3A_1135 = arith.maximumf %max3A_1134, %mul3A_565 : vector<16xf32>
    %sub3A_1136 = arith.subf %min3A_1133, %max3A_1135 : vector<16xf32>
    %max3A_1137 = arith.constant 0.000000e+00 : f32
    %max3A_1138 = vector.broadcast %max3A_1137 : f32 to vector<16xf32>
    %max3A_1139 = arith.maximumf %sub3A_1136, %max3A_1138 : vector<16xf32>
    %gt3A_1140 = arith.cmpf ogt, %max3A_1139, %select_n3A_1129 : vector<16xf32>
    %gt3A_1141 = arith.cmpf ogt, %max3A_1139, %select_n3A_1124 : vector<16xf32>
    %gt3A_1142 = arith.cmpf ogt, %max3A_1139, %select_n3A_1118 : vector<16xf32>
    %broadcast_in_dim3A_1143 = vector.broadcast %min3A_285 : f32 to vector<16xf32>
    %broadcast_in_dim3A_1144 = vector.broadcast %min3A_291 : f32 to vector<16xf32>
    %select_n3A_1145 = arith.select %gt3A_1141, %select_n3A_1124, %max3A_1139 : vector<16xi1>, vector<16xf32>
    %select_n3A_1146 = arith.select %gt3A_1142, %select_n3A_1145, %select_n3A_1118 : vector<16xi1>, vector<16xf32>
    %select_n3A_1147 = arith.select %gt3A_1141, %select_n3A_1126, %broadcast_in_dim3A_1143 : vector<16xi1>, vector<16xf32>
    %select_n3A_1148 = arith.select %gt3A_1142, %select_n3A_1147, %select_n3A_1120 : vector<16xi1>, vector<16xf32>
    %select_n3A_1149 = arith.select %gt3A_1141, %select_n3A_1128, %broadcast_in_dim3A_1144 : vector<16xi1>, vector<16xf32>
    %select_n3A_1150 = arith.select %gt3A_1142, %select_n3A_1149, %select_n3A_1122 : vector<16xi1>, vector<16xf32>
    %select_n3A_1151 = arith.select %gt3A_1140, %select_n3A_1129, %max3A_1139 : vector<16xi1>, vector<16xf32>
    %select_n3A_1152 = arith.select %gt3A_1141, %select_n3A_1151, %select_n3A_1124 : vector<16xi1>, vector<16xf32>
    %select_n3A_1153 = arith.select %gt3A_1140, %select_n3A_1130, %broadcast_in_dim3A_1143 : vector<16xi1>, vector<16xf32>
    %select_n3A_1154 = arith.select %gt3A_1141, %select_n3A_1153, %select_n3A_1126 : vector<16xi1>, vector<16xf32>
    %select_n3A_1155 = arith.select %gt3A_1140, %select_n3A_1131, %broadcast_in_dim3A_1144 : vector<16xi1>, vector<16xf32>
    %select_n3A_1156 = arith.select %gt3A_1141, %select_n3A_1155, %select_n3A_1128 : vector<16xi1>, vector<16xf32>
    %select_n3A_1157 = arith.select %gt3A_1140, %max3A_1139, %select_n3A_1129 : vector<16xi1>, vector<16xf32>
    %select_n3A_1158 = arith.select %gt3A_1140, %broadcast_in_dim3A_1143, %select_n3A_1130 : vector<16xi1>, vector<16xf32>
    %select_n3A_1159 = arith.select %gt3A_1140, %broadcast_in_dim3A_1144, %select_n3A_1131 : vector<16xi1>, vector<16xf32>
    %min3A_1160 = vector.broadcast %min3A_303 : f32 to vector<16xf32>
    %min3A_1161 = arith.minimumf %min3A_1160, %add3A_568 : vector<16xf32>
    %max3A_1162 = vector.broadcast %min3A_297 : f32 to vector<16xf32>
    %max3A_1163 = arith.maximumf %max3A_1162, %mul3A_565 : vector<16xf32>
    %sub3A_1164 = arith.subf %min3A_1161, %max3A_1163 : vector<16xf32>
    %max3A_1165 = arith.constant 0.000000e+00 : f32
    %max3A_1166 = vector.broadcast %max3A_1165 : f32 to vector<16xf32>
    %max3A_1167 = arith.maximumf %sub3A_1164, %max3A_1166 : vector<16xf32>
    %gt3A_1168 = arith.cmpf ogt, %max3A_1167, %select_n3A_1157 : vector<16xf32>
    %gt3A_1169 = arith.cmpf ogt, %max3A_1167, %select_n3A_1152 : vector<16xf32>
    %gt3A_1170 = arith.cmpf ogt, %max3A_1167, %select_n3A_1146 : vector<16xf32>
    %broadcast_in_dim3A_1171 = vector.broadcast %min3A_297 : f32 to vector<16xf32>
    %broadcast_in_dim3A_1172 = vector.broadcast %min3A_303 : f32 to vector<16xf32>
    %select_n3A_1173 = arith.select %gt3A_1169, %select_n3A_1152, %max3A_1167 : vector<16xi1>, vector<16xf32>
    %select_n3A_1174 = arith.select %gt3A_1170, %select_n3A_1173, %select_n3A_1146 : vector<16xi1>, vector<16xf32>
    %select_n3A_1175 = arith.select %gt3A_1169, %select_n3A_1154, %broadcast_in_dim3A_1171 : vector<16xi1>, vector<16xf32>
    %select_n3A_1176 = arith.select %gt3A_1170, %select_n3A_1175, %select_n3A_1148 : vector<16xi1>, vector<16xf32>
    %select_n3A_1177 = arith.select %gt3A_1169, %select_n3A_1156, %broadcast_in_dim3A_1172 : vector<16xi1>, vector<16xf32>
    %select_n3A_1178 = arith.select %gt3A_1170, %select_n3A_1177, %select_n3A_1150 : vector<16xi1>, vector<16xf32>
    %select_n3A_1179 = arith.select %gt3A_1168, %select_n3A_1157, %max3A_1167 : vector<16xi1>, vector<16xf32>
    %select_n3A_1180 = arith.select %gt3A_1169, %select_n3A_1179, %select_n3A_1152 : vector<16xi1>, vector<16xf32>
    %select_n3A_1181 = arith.select %gt3A_1168, %select_n3A_1158, %broadcast_in_dim3A_1171 : vector<16xi1>, vector<16xf32>
    %select_n3A_1182 = arith.select %gt3A_1169, %select_n3A_1181, %select_n3A_1154 : vector<16xi1>, vector<16xf32>
    %select_n3A_1183 = arith.select %gt3A_1168, %select_n3A_1159, %broadcast_in_dim3A_1172 : vector<16xi1>, vector<16xf32>
    %select_n3A_1184 = arith.select %gt3A_1169, %select_n3A_1183, %select_n3A_1156 : vector<16xi1>, vector<16xf32>
    %select_n3A_1185 = arith.select %gt3A_1168, %max3A_1167, %select_n3A_1157 : vector<16xi1>, vector<16xf32>
    %select_n3A_1186 = arith.select %gt3A_1168, %broadcast_in_dim3A_1171, %select_n3A_1158 : vector<16xi1>, vector<16xf32>
    %select_n3A_1187 = arith.select %gt3A_1168, %broadcast_in_dim3A_1172, %select_n3A_1159 : vector<16xi1>, vector<16xf32>
    %min3A_1188 = vector.broadcast %min3A_315 : f32 to vector<16xf32>
    %min3A_1189 = arith.minimumf %min3A_1188, %add3A_568 : vector<16xf32>
    %max3A_1190 = vector.broadcast %min3A_309 : f32 to vector<16xf32>
    %max3A_1191 = arith.maximumf %max3A_1190, %mul3A_565 : vector<16xf32>
    %sub3A_1192 = arith.subf %min3A_1189, %max3A_1191 : vector<16xf32>
    %max3A_1193 = arith.constant 0.000000e+00 : f32
    %max3A_1194 = vector.broadcast %max3A_1193 : f32 to vector<16xf32>
    %max3A_1195 = arith.maximumf %sub3A_1192, %max3A_1194 : vector<16xf32>
    %gt3A_1196 = arith.cmpf ogt, %max3A_1195, %select_n3A_1185 : vector<16xf32>
    %gt3A_1197 = arith.cmpf ogt, %max3A_1195, %select_n3A_1180 : vector<16xf32>
    %gt3A_1198 = arith.cmpf ogt, %max3A_1195, %select_n3A_1174 : vector<16xf32>
    %broadcast_in_dim3A_1199 = vector.broadcast %min3A_309 : f32 to vector<16xf32>
    %broadcast_in_dim3A_1200 = vector.broadcast %min3A_315 : f32 to vector<16xf32>
    %select_n3A_1201 = arith.select %gt3A_1197, %select_n3A_1180, %max3A_1195 : vector<16xi1>, vector<16xf32>
    %select_n3A_1202 = arith.select %gt3A_1198, %select_n3A_1201, %select_n3A_1174 : vector<16xi1>, vector<16xf32>
    %select_n3A_1203 = arith.select %gt3A_1197, %select_n3A_1182, %broadcast_in_dim3A_1199 : vector<16xi1>, vector<16xf32>
    %select_n3A_1204 = arith.select %gt3A_1198, %select_n3A_1203, %select_n3A_1176 : vector<16xi1>, vector<16xf32>
    %select_n3A_1205 = arith.select %gt3A_1197, %select_n3A_1184, %broadcast_in_dim3A_1200 : vector<16xi1>, vector<16xf32>
    %select_n3A_1206 = arith.select %gt3A_1198, %select_n3A_1205, %select_n3A_1178 : vector<16xi1>, vector<16xf32>
    %select_n3A_1207 = arith.select %gt3A_1196, %select_n3A_1185, %max3A_1195 : vector<16xi1>, vector<16xf32>
    %select_n3A_1208 = arith.select %gt3A_1197, %select_n3A_1207, %select_n3A_1180 : vector<16xi1>, vector<16xf32>
    %select_n3A_1209 = arith.select %gt3A_1196, %select_n3A_1186, %broadcast_in_dim3A_1199 : vector<16xi1>, vector<16xf32>
    %select_n3A_1210 = arith.select %gt3A_1197, %select_n3A_1209, %select_n3A_1182 : vector<16xi1>, vector<16xf32>
    %select_n3A_1211 = arith.select %gt3A_1196, %select_n3A_1187, %broadcast_in_dim3A_1200 : vector<16xi1>, vector<16xf32>
    %select_n3A_1212 = arith.select %gt3A_1197, %select_n3A_1211, %select_n3A_1184 : vector<16xi1>, vector<16xf32>
    %select_n3A_1213 = arith.select %gt3A_1196, %max3A_1195, %select_n3A_1185 : vector<16xi1>, vector<16xf32>
    %select_n3A_1214 = arith.select %gt3A_1196, %broadcast_in_dim3A_1199, %select_n3A_1186 : vector<16xi1>, vector<16xf32>
    %select_n3A_1215 = arith.select %gt3A_1196, %broadcast_in_dim3A_1200, %select_n3A_1187 : vector<16xi1>, vector<16xf32>
    %min3A_1216 = vector.broadcast %min3A_327 : f32 to vector<16xf32>
    %min3A_1217 = arith.minimumf %min3A_1216, %add3A_568 : vector<16xf32>
    %max3A_1218 = vector.broadcast %min3A_321 : f32 to vector<16xf32>
    %max3A_1219 = arith.maximumf %max3A_1218, %mul3A_565 : vector<16xf32>
    %sub3A_1220 = arith.subf %min3A_1217, %max3A_1219 : vector<16xf32>
    %max3A_1221 = arith.constant 0.000000e+00 : f32
    %max3A_1222 = vector.broadcast %max3A_1221 : f32 to vector<16xf32>
    %max3A_1223 = arith.maximumf %sub3A_1220, %max3A_1222 : vector<16xf32>
    %gt3A_1224 = arith.cmpf ogt, %max3A_1223, %select_n3A_1213 : vector<16xf32>
    %gt3A_1225 = arith.cmpf ogt, %max3A_1223, %select_n3A_1208 : vector<16xf32>
    %gt3A_1226 = arith.cmpf ogt, %max3A_1223, %select_n3A_1202 : vector<16xf32>
    %broadcast_in_dim3A_1227 = vector.broadcast %min3A_321 : f32 to vector<16xf32>
    %broadcast_in_dim3A_1228 = vector.broadcast %min3A_327 : f32 to vector<16xf32>
    %select_n3A_1229 = arith.select %gt3A_1225, %select_n3A_1208, %max3A_1223 : vector<16xi1>, vector<16xf32>
    %select_n3A_1230 = arith.select %gt3A_1226, %select_n3A_1229, %select_n3A_1202 : vector<16xi1>, vector<16xf32>
    %select_n3A_1231 = arith.select %gt3A_1225, %select_n3A_1210, %broadcast_in_dim3A_1227 : vector<16xi1>, vector<16xf32>
    %select_n3A_1232 = arith.select %gt3A_1226, %select_n3A_1231, %select_n3A_1204 : vector<16xi1>, vector<16xf32>
    %select_n3A_1233 = arith.select %gt3A_1225, %select_n3A_1212, %broadcast_in_dim3A_1228 : vector<16xi1>, vector<16xf32>
    %select_n3A_1234 = arith.select %gt3A_1226, %select_n3A_1233, %select_n3A_1206 : vector<16xi1>, vector<16xf32>
    %select_n3A_1235 = arith.select %gt3A_1224, %select_n3A_1213, %max3A_1223 : vector<16xi1>, vector<16xf32>
    %select_n3A_1236 = arith.select %gt3A_1225, %select_n3A_1235, %select_n3A_1208 : vector<16xi1>, vector<16xf32>
    %select_n3A_1237 = arith.select %gt3A_1224, %select_n3A_1214, %broadcast_in_dim3A_1227 : vector<16xi1>, vector<16xf32>
    %select_n3A_1238 = arith.select %gt3A_1225, %select_n3A_1237, %select_n3A_1210 : vector<16xi1>, vector<16xf32>
    %select_n3A_1239 = arith.select %gt3A_1224, %select_n3A_1215, %broadcast_in_dim3A_1228 : vector<16xi1>, vector<16xf32>
    %select_n3A_1240 = arith.select %gt3A_1225, %select_n3A_1239, %select_n3A_1212 : vector<16xi1>, vector<16xf32>
    %select_n3A_1241 = arith.select %gt3A_1224, %max3A_1223, %select_n3A_1213 : vector<16xi1>, vector<16xf32>
    %select_n3A_1242 = arith.select %gt3A_1224, %broadcast_in_dim3A_1227, %select_n3A_1214 : vector<16xi1>, vector<16xf32>
    %select_n3A_1243 = arith.select %gt3A_1224, %broadcast_in_dim3A_1228, %select_n3A_1215 : vector<16xi1>, vector<16xf32>
    %min3A_1244 = vector.broadcast %min3A_339 : f32 to vector<16xf32>
    %min3A_1245 = arith.minimumf %min3A_1244, %add3A_568 : vector<16xf32>
    %max3A_1246 = vector.broadcast %min3A_333 : f32 to vector<16xf32>
    %max3A_1247 = arith.maximumf %max3A_1246, %mul3A_565 : vector<16xf32>
    %sub3A_1248 = arith.subf %min3A_1245, %max3A_1247 : vector<16xf32>
    %max3A_1249 = arith.constant 0.000000e+00 : f32
    %max3A_1250 = vector.broadcast %max3A_1249 : f32 to vector<16xf32>
    %max3A_1251 = arith.maximumf %sub3A_1248, %max3A_1250 : vector<16xf32>
    %gt3A_1252 = arith.cmpf ogt, %max3A_1251, %select_n3A_1241 : vector<16xf32>
    %gt3A_1253 = arith.cmpf ogt, %max3A_1251, %select_n3A_1236 : vector<16xf32>
    %gt3A_1254 = arith.cmpf ogt, %max3A_1251, %select_n3A_1230 : vector<16xf32>
    %broadcast_in_dim3A_1255 = vector.broadcast %min3A_333 : f32 to vector<16xf32>
    %broadcast_in_dim3A_1256 = vector.broadcast %min3A_339 : f32 to vector<16xf32>
    %select_n3A_1257 = arith.select %gt3A_1253, %select_n3A_1236, %max3A_1251 : vector<16xi1>, vector<16xf32>
    %select_n3A_1258 = arith.select %gt3A_1254, %select_n3A_1257, %select_n3A_1230 : vector<16xi1>, vector<16xf32>
    %select_n3A_1259 = arith.select %gt3A_1253, %select_n3A_1238, %broadcast_in_dim3A_1255 : vector<16xi1>, vector<16xf32>
    %select_n3A_1260 = arith.select %gt3A_1254, %select_n3A_1259, %select_n3A_1232 : vector<16xi1>, vector<16xf32>
    %select_n3A_1261 = arith.select %gt3A_1253, %select_n3A_1240, %broadcast_in_dim3A_1256 : vector<16xi1>, vector<16xf32>
    %select_n3A_1262 = arith.select %gt3A_1254, %select_n3A_1261, %select_n3A_1234 : vector<16xi1>, vector<16xf32>
    %select_n3A_1263 = arith.select %gt3A_1252, %select_n3A_1241, %max3A_1251 : vector<16xi1>, vector<16xf32>
    %select_n3A_1264 = arith.select %gt3A_1253, %select_n3A_1263, %select_n3A_1236 : vector<16xi1>, vector<16xf32>
    %select_n3A_1265 = arith.select %gt3A_1252, %select_n3A_1242, %broadcast_in_dim3A_1255 : vector<16xi1>, vector<16xf32>
    %select_n3A_1266 = arith.select %gt3A_1253, %select_n3A_1265, %select_n3A_1238 : vector<16xi1>, vector<16xf32>
    %select_n3A_1267 = arith.select %gt3A_1252, %select_n3A_1243, %broadcast_in_dim3A_1256 : vector<16xi1>, vector<16xf32>
    %select_n3A_1268 = arith.select %gt3A_1253, %select_n3A_1267, %select_n3A_1240 : vector<16xi1>, vector<16xf32>
    %select_n3A_1269 = arith.select %gt3A_1252, %max3A_1251, %select_n3A_1241 : vector<16xi1>, vector<16xf32>
    %select_n3A_1270 = arith.select %gt3A_1252, %broadcast_in_dim3A_1255, %select_n3A_1242 : vector<16xi1>, vector<16xf32>
    %select_n3A_1271 = arith.select %gt3A_1252, %broadcast_in_dim3A_1256, %select_n3A_1243 : vector<16xi1>, vector<16xf32>
    %min3A_1272 = vector.broadcast %min3A_351 : f32 to vector<16xf32>
    %min3A_1273 = arith.minimumf %min3A_1272, %add3A_568 : vector<16xf32>
    %max3A_1274 = vector.broadcast %min3A_345 : f32 to vector<16xf32>
    %max3A_1275 = arith.maximumf %max3A_1274, %mul3A_565 : vector<16xf32>
    %sub3A_1276 = arith.subf %min3A_1273, %max3A_1275 : vector<16xf32>
    %max3A_1277 = arith.constant 0.000000e+00 : f32
    %max3A_1278 = vector.broadcast %max3A_1277 : f32 to vector<16xf32>
    %max3A_1279 = arith.maximumf %sub3A_1276, %max3A_1278 : vector<16xf32>
    %gt3A_1280 = arith.cmpf ogt, %max3A_1279, %select_n3A_1269 : vector<16xf32>
    %gt3A_1281 = arith.cmpf ogt, %max3A_1279, %select_n3A_1264 : vector<16xf32>
    %gt3A_1282 = arith.cmpf ogt, %max3A_1279, %select_n3A_1258 : vector<16xf32>
    %broadcast_in_dim3A_1283 = vector.broadcast %min3A_345 : f32 to vector<16xf32>
    %broadcast_in_dim3A_1284 = vector.broadcast %min3A_351 : f32 to vector<16xf32>
    %select_n3A_1285 = arith.select %gt3A_1281, %select_n3A_1264, %max3A_1279 : vector<16xi1>, vector<16xf32>
    %select_n3A_1286 = arith.select %gt3A_1282, %select_n3A_1285, %select_n3A_1258 : vector<16xi1>, vector<16xf32>
    %select_n3A_1287 = arith.select %gt3A_1281, %select_n3A_1266, %broadcast_in_dim3A_1283 : vector<16xi1>, vector<16xf32>
    %select_n3A_1288 = arith.select %gt3A_1282, %select_n3A_1287, %select_n3A_1260 : vector<16xi1>, vector<16xf32>
    %select_n3A_1289 = arith.select %gt3A_1281, %select_n3A_1268, %broadcast_in_dim3A_1284 : vector<16xi1>, vector<16xf32>
    %select_n3A_1290 = arith.select %gt3A_1282, %select_n3A_1289, %select_n3A_1262 : vector<16xi1>, vector<16xf32>
    %select_n3A_1291 = arith.select %gt3A_1280, %select_n3A_1269, %max3A_1279 : vector<16xi1>, vector<16xf32>
    %select_n3A_1292 = arith.select %gt3A_1281, %select_n3A_1291, %select_n3A_1264 : vector<16xi1>, vector<16xf32>
    %select_n3A_1293 = arith.select %gt3A_1280, %select_n3A_1270, %broadcast_in_dim3A_1283 : vector<16xi1>, vector<16xf32>
    %select_n3A_1294 = arith.select %gt3A_1281, %select_n3A_1293, %select_n3A_1266 : vector<16xi1>, vector<16xf32>
    %select_n3A_1295 = arith.select %gt3A_1280, %select_n3A_1271, %broadcast_in_dim3A_1284 : vector<16xi1>, vector<16xf32>
    %select_n3A_1296 = arith.select %gt3A_1281, %select_n3A_1295, %select_n3A_1268 : vector<16xi1>, vector<16xf32>
    %select_n3A_1297 = arith.select %gt3A_1280, %max3A_1279, %select_n3A_1269 : vector<16xi1>, vector<16xf32>
    %select_n3A_1298 = arith.select %gt3A_1280, %broadcast_in_dim3A_1283, %select_n3A_1270 : vector<16xi1>, vector<16xf32>
    %select_n3A_1299 = arith.select %gt3A_1280, %broadcast_in_dim3A_1284, %select_n3A_1271 : vector<16xi1>, vector<16xf32>
    %min3A_1300 = vector.broadcast %min3A_363 : f32 to vector<16xf32>
    %min3A_1301 = arith.minimumf %min3A_1300, %add3A_568 : vector<16xf32>
    %max3A_1302 = vector.broadcast %min3A_357 : f32 to vector<16xf32>
    %max3A_1303 = arith.maximumf %max3A_1302, %mul3A_565 : vector<16xf32>
    %sub3A_1304 = arith.subf %min3A_1301, %max3A_1303 : vector<16xf32>
    %max3A_1305 = arith.constant 0.000000e+00 : f32
    %max3A_1306 = vector.broadcast %max3A_1305 : f32 to vector<16xf32>
    %max3A_1307 = arith.maximumf %sub3A_1304, %max3A_1306 : vector<16xf32>
    %gt3A_1308 = arith.cmpf ogt, %max3A_1307, %select_n3A_1297 : vector<16xf32>
    %gt3A_1309 = arith.cmpf ogt, %max3A_1307, %select_n3A_1292 : vector<16xf32>
    %gt3A_1310 = arith.cmpf ogt, %max3A_1307, %select_n3A_1286 : vector<16xf32>
    %broadcast_in_dim3A_1311 = vector.broadcast %min3A_357 : f32 to vector<16xf32>
    %broadcast_in_dim3A_1312 = vector.broadcast %min3A_363 : f32 to vector<16xf32>
    %select_n3A_1313 = arith.select %gt3A_1309, %select_n3A_1292, %max3A_1307 : vector<16xi1>, vector<16xf32>
    %select_n3A_1314 = arith.select %gt3A_1310, %select_n3A_1313, %select_n3A_1286 : vector<16xi1>, vector<16xf32>
    %select_n3A_1315 = arith.select %gt3A_1309, %select_n3A_1294, %broadcast_in_dim3A_1311 : vector<16xi1>, vector<16xf32>
    %select_n3A_1316 = arith.select %gt3A_1310, %select_n3A_1315, %select_n3A_1288 : vector<16xi1>, vector<16xf32>
    %select_n3A_1317 = arith.select %gt3A_1309, %select_n3A_1296, %broadcast_in_dim3A_1312 : vector<16xi1>, vector<16xf32>
    %select_n3A_1318 = arith.select %gt3A_1310, %select_n3A_1317, %select_n3A_1290 : vector<16xi1>, vector<16xf32>
    %select_n3A_1319 = arith.select %gt3A_1308, %select_n3A_1297, %max3A_1307 : vector<16xi1>, vector<16xf32>
    %select_n3A_1320 = arith.select %gt3A_1309, %select_n3A_1319, %select_n3A_1292 : vector<16xi1>, vector<16xf32>
    %select_n3A_1321 = arith.select %gt3A_1308, %select_n3A_1298, %broadcast_in_dim3A_1311 : vector<16xi1>, vector<16xf32>
    %select_n3A_1322 = arith.select %gt3A_1309, %select_n3A_1321, %select_n3A_1294 : vector<16xi1>, vector<16xf32>
    %select_n3A_1323 = arith.select %gt3A_1308, %select_n3A_1299, %broadcast_in_dim3A_1312 : vector<16xi1>, vector<16xf32>
    %select_n3A_1324 = arith.select %gt3A_1309, %select_n3A_1323, %select_n3A_1296 : vector<16xi1>, vector<16xf32>
    %select_n3A_1325 = arith.select %gt3A_1308, %max3A_1307, %select_n3A_1297 : vector<16xi1>, vector<16xf32>
    %select_n3A_1326 = arith.select %gt3A_1308, %broadcast_in_dim3A_1311, %select_n3A_1298 : vector<16xi1>, vector<16xf32>
    %select_n3A_1327 = arith.select %gt3A_1308, %broadcast_in_dim3A_1312, %select_n3A_1299 : vector<16xi1>, vector<16xf32>
    %min3A_1328 = vector.broadcast %min3A_375 : f32 to vector<16xf32>
    %min3A_1329 = arith.minimumf %min3A_1328, %add3A_568 : vector<16xf32>
    %max3A_1330 = vector.broadcast %min3A_369 : f32 to vector<16xf32>
    %max3A_1331 = arith.maximumf %max3A_1330, %mul3A_565 : vector<16xf32>
    %sub3A_1332 = arith.subf %min3A_1329, %max3A_1331 : vector<16xf32>
    %max3A_1333 = arith.constant 0.000000e+00 : f32
    %max3A_1334 = vector.broadcast %max3A_1333 : f32 to vector<16xf32>
    %max3A_1335 = arith.maximumf %sub3A_1332, %max3A_1334 : vector<16xf32>
    %gt3A_1336 = arith.cmpf ogt, %max3A_1335, %select_n3A_1325 : vector<16xf32>
    %gt3A_1337 = arith.cmpf ogt, %max3A_1335, %select_n3A_1320 : vector<16xf32>
    %gt3A_1338 = arith.cmpf ogt, %max3A_1335, %select_n3A_1314 : vector<16xf32>
    %broadcast_in_dim3A_1339 = vector.broadcast %min3A_369 : f32 to vector<16xf32>
    %broadcast_in_dim3A_1340 = vector.broadcast %min3A_375 : f32 to vector<16xf32>
    %select_n3A_1341 = arith.select %gt3A_1337, %select_n3A_1320, %max3A_1335 : vector<16xi1>, vector<16xf32>
    %select_n3A_1342 = arith.select %gt3A_1338, %select_n3A_1341, %select_n3A_1314 : vector<16xi1>, vector<16xf32>
    %select_n3A_1343 = arith.select %gt3A_1337, %select_n3A_1322, %broadcast_in_dim3A_1339 : vector<16xi1>, vector<16xf32>
    %select_n3A_1344 = arith.select %gt3A_1338, %select_n3A_1343, %select_n3A_1316 : vector<16xi1>, vector<16xf32>
    %select_n3A_1345 = arith.select %gt3A_1337, %select_n3A_1324, %broadcast_in_dim3A_1340 : vector<16xi1>, vector<16xf32>
    %select_n3A_1346 = arith.select %gt3A_1338, %select_n3A_1345, %select_n3A_1318 : vector<16xi1>, vector<16xf32>
    %select_n3A_1347 = arith.select %gt3A_1336, %select_n3A_1325, %max3A_1335 : vector<16xi1>, vector<16xf32>
    %select_n3A_1348 = arith.select %gt3A_1337, %select_n3A_1347, %select_n3A_1320 : vector<16xi1>, vector<16xf32>
    %select_n3A_1349 = arith.select %gt3A_1336, %select_n3A_1326, %broadcast_in_dim3A_1339 : vector<16xi1>, vector<16xf32>
    %select_n3A_1350 = arith.select %gt3A_1337, %select_n3A_1349, %select_n3A_1322 : vector<16xi1>, vector<16xf32>
    %select_n3A_1351 = arith.select %gt3A_1336, %select_n3A_1327, %broadcast_in_dim3A_1340 : vector<16xi1>, vector<16xf32>
    %select_n3A_1352 = arith.select %gt3A_1337, %select_n3A_1351, %select_n3A_1324 : vector<16xi1>, vector<16xf32>
    %select_n3A_1353 = arith.select %gt3A_1336, %max3A_1335, %select_n3A_1325 : vector<16xi1>, vector<16xf32>
    %select_n3A_1354 = arith.select %gt3A_1336, %broadcast_in_dim3A_1339, %select_n3A_1326 : vector<16xi1>, vector<16xf32>
    %select_n3A_1355 = arith.select %gt3A_1336, %broadcast_in_dim3A_1340, %select_n3A_1327 : vector<16xi1>, vector<16xf32>
    %min3A_1356 = vector.broadcast %min3A_387 : f32 to vector<16xf32>
    %min3A_1357 = arith.minimumf %min3A_1356, %add3A_568 : vector<16xf32>
    %max3A_1358 = vector.broadcast %min3A_381 : f32 to vector<16xf32>
    %max3A_1359 = arith.maximumf %max3A_1358, %mul3A_565 : vector<16xf32>
    %sub3A_1360 = arith.subf %min3A_1357, %max3A_1359 : vector<16xf32>
    %max3A_1361 = arith.constant 0.000000e+00 : f32
    %max3A_1362 = vector.broadcast %max3A_1361 : f32 to vector<16xf32>
    %max3A_1363 = arith.maximumf %sub3A_1360, %max3A_1362 : vector<16xf32>
    %gt3A_1364 = arith.cmpf ogt, %max3A_1363, %select_n3A_1353 : vector<16xf32>
    %gt3A_1365 = arith.cmpf ogt, %max3A_1363, %select_n3A_1348 : vector<16xf32>
    %gt3A_1366 = arith.cmpf ogt, %max3A_1363, %select_n3A_1342 : vector<16xf32>
    %broadcast_in_dim3A_1367 = vector.broadcast %min3A_381 : f32 to vector<16xf32>
    %broadcast_in_dim3A_1368 = vector.broadcast %min3A_387 : f32 to vector<16xf32>
    %select_n3A_1369 = arith.select %gt3A_1365, %select_n3A_1348, %max3A_1363 : vector<16xi1>, vector<16xf32>
    %select_n3A_1370 = arith.select %gt3A_1366, %select_n3A_1369, %select_n3A_1342 : vector<16xi1>, vector<16xf32>
    %select_n3A_1371 = arith.select %gt3A_1365, %select_n3A_1350, %broadcast_in_dim3A_1367 : vector<16xi1>, vector<16xf32>
    %select_n3A_1372 = arith.select %gt3A_1366, %select_n3A_1371, %select_n3A_1344 : vector<16xi1>, vector<16xf32>
    %select_n3A_1373 = arith.select %gt3A_1365, %select_n3A_1352, %broadcast_in_dim3A_1368 : vector<16xi1>, vector<16xf32>
    %select_n3A_1374 = arith.select %gt3A_1366, %select_n3A_1373, %select_n3A_1346 : vector<16xi1>, vector<16xf32>
    %select_n3A_1375 = arith.select %gt3A_1364, %select_n3A_1353, %max3A_1363 : vector<16xi1>, vector<16xf32>
    %select_n3A_1376 = arith.select %gt3A_1365, %select_n3A_1375, %select_n3A_1348 : vector<16xi1>, vector<16xf32>
    %select_n3A_1377 = arith.select %gt3A_1364, %select_n3A_1354, %broadcast_in_dim3A_1367 : vector<16xi1>, vector<16xf32>
    %select_n3A_1378 = arith.select %gt3A_1365, %select_n3A_1377, %select_n3A_1350 : vector<16xi1>, vector<16xf32>
    %select_n3A_1379 = arith.select %gt3A_1364, %select_n3A_1355, %broadcast_in_dim3A_1368 : vector<16xi1>, vector<16xf32>
    %select_n3A_1380 = arith.select %gt3A_1365, %select_n3A_1379, %select_n3A_1352 : vector<16xi1>, vector<16xf32>
    %select_n3A_1381 = arith.select %gt3A_1364, %max3A_1363, %select_n3A_1353 : vector<16xi1>, vector<16xf32>
    %select_n3A_1382 = arith.select %gt3A_1364, %broadcast_in_dim3A_1367, %select_n3A_1354 : vector<16xi1>, vector<16xf32>
    %select_n3A_1383 = arith.select %gt3A_1364, %broadcast_in_dim3A_1368, %select_n3A_1355 : vector<16xi1>, vector<16xf32>
    %min3A_1384 = vector.broadcast %min3A_399 : f32 to vector<16xf32>
    %min3A_1385 = arith.minimumf %min3A_1384, %add3A_568 : vector<16xf32>
    %max3A_1386 = vector.broadcast %min3A_393 : f32 to vector<16xf32>
    %max3A_1387 = arith.maximumf %max3A_1386, %mul3A_565 : vector<16xf32>
    %sub3A_1388 = arith.subf %min3A_1385, %max3A_1387 : vector<16xf32>
    %max3A_1389 = arith.constant 0.000000e+00 : f32
    %max3A_1390 = vector.broadcast %max3A_1389 : f32 to vector<16xf32>
    %max3A_1391 = arith.maximumf %sub3A_1388, %max3A_1390 : vector<16xf32>
    %gt3A_1392 = arith.cmpf ogt, %max3A_1391, %select_n3A_1381 : vector<16xf32>
    %gt3A_1393 = arith.cmpf ogt, %max3A_1391, %select_n3A_1376 : vector<16xf32>
    %gt3A_1394 = arith.cmpf ogt, %max3A_1391, %select_n3A_1370 : vector<16xf32>
    %broadcast_in_dim3A_1395 = vector.broadcast %min3A_393 : f32 to vector<16xf32>
    %broadcast_in_dim3A_1396 = vector.broadcast %min3A_399 : f32 to vector<16xf32>
    %select_n3A_1397 = arith.select %gt3A_1393, %select_n3A_1376, %max3A_1391 : vector<16xi1>, vector<16xf32>
    %select_n3A_1398 = arith.select %gt3A_1394, %select_n3A_1397, %select_n3A_1370 : vector<16xi1>, vector<16xf32>
    %select_n3A_1399 = arith.select %gt3A_1393, %select_n3A_1378, %broadcast_in_dim3A_1395 : vector<16xi1>, vector<16xf32>
    %select_n3A_1400 = arith.select %gt3A_1394, %select_n3A_1399, %select_n3A_1372 : vector<16xi1>, vector<16xf32>
    %select_n3A_1401 = arith.select %gt3A_1393, %select_n3A_1380, %broadcast_in_dim3A_1396 : vector<16xi1>, vector<16xf32>
    %select_n3A_1402 = arith.select %gt3A_1394, %select_n3A_1401, %select_n3A_1374 : vector<16xi1>, vector<16xf32>
    %select_n3A_1403 = arith.select %gt3A_1392, %select_n3A_1381, %max3A_1391 : vector<16xi1>, vector<16xf32>
    %select_n3A_1404 = arith.select %gt3A_1393, %select_n3A_1403, %select_n3A_1376 : vector<16xi1>, vector<16xf32>
    %select_n3A_1405 = arith.select %gt3A_1392, %select_n3A_1382, %broadcast_in_dim3A_1395 : vector<16xi1>, vector<16xf32>
    %select_n3A_1406 = arith.select %gt3A_1393, %select_n3A_1405, %select_n3A_1378 : vector<16xi1>, vector<16xf32>
    %select_n3A_1407 = arith.select %gt3A_1392, %select_n3A_1383, %broadcast_in_dim3A_1396 : vector<16xi1>, vector<16xf32>
    %select_n3A_1408 = arith.select %gt3A_1393, %select_n3A_1407, %select_n3A_1380 : vector<16xi1>, vector<16xf32>
    %select_n3A_1409 = arith.select %gt3A_1392, %max3A_1391, %select_n3A_1381 : vector<16xi1>, vector<16xf32>
    %select_n3A_1410 = arith.select %gt3A_1392, %broadcast_in_dim3A_1395, %select_n3A_1382 : vector<16xi1>, vector<16xf32>
    %select_n3A_1411 = arith.select %gt3A_1392, %broadcast_in_dim3A_1396, %select_n3A_1383 : vector<16xi1>, vector<16xf32>
    %min3A_1412 = vector.broadcast %min3A_411 : f32 to vector<16xf32>
    %min3A_1413 = arith.minimumf %min3A_1412, %add3A_568 : vector<16xf32>
    %max3A_1414 = vector.broadcast %min3A_405 : f32 to vector<16xf32>
    %max3A_1415 = arith.maximumf %max3A_1414, %mul3A_565 : vector<16xf32>
    %sub3A_1416 = arith.subf %min3A_1413, %max3A_1415 : vector<16xf32>
    %max3A_1417 = arith.constant 0.000000e+00 : f32
    %max3A_1418 = vector.broadcast %max3A_1417 : f32 to vector<16xf32>
    %max3A_1419 = arith.maximumf %sub3A_1416, %max3A_1418 : vector<16xf32>
    %gt3A_1420 = arith.cmpf ogt, %max3A_1419, %select_n3A_1409 : vector<16xf32>
    %gt3A_1421 = arith.cmpf ogt, %max3A_1419, %select_n3A_1404 : vector<16xf32>
    %gt3A_1422 = arith.cmpf ogt, %max3A_1419, %select_n3A_1398 : vector<16xf32>
    %broadcast_in_dim3A_1423 = vector.broadcast %min3A_405 : f32 to vector<16xf32>
    %broadcast_in_dim3A_1424 = vector.broadcast %min3A_411 : f32 to vector<16xf32>
    %select_n3A_1425 = arith.select %gt3A_1421, %select_n3A_1404, %max3A_1419 : vector<16xi1>, vector<16xf32>
    %select_n3A_1426 = arith.select %gt3A_1422, %select_n3A_1425, %select_n3A_1398 : vector<16xi1>, vector<16xf32>
    %select_n3A_1427 = arith.select %gt3A_1421, %select_n3A_1406, %broadcast_in_dim3A_1423 : vector<16xi1>, vector<16xf32>
    %select_n3A_1428 = arith.select %gt3A_1422, %select_n3A_1427, %select_n3A_1400 : vector<16xi1>, vector<16xf32>
    %select_n3A_1429 = arith.select %gt3A_1421, %select_n3A_1408, %broadcast_in_dim3A_1424 : vector<16xi1>, vector<16xf32>
    %select_n3A_1430 = arith.select %gt3A_1422, %select_n3A_1429, %select_n3A_1402 : vector<16xi1>, vector<16xf32>
    %select_n3A_1431 = arith.select %gt3A_1420, %select_n3A_1409, %max3A_1419 : vector<16xi1>, vector<16xf32>
    %select_n3A_1432 = arith.select %gt3A_1421, %select_n3A_1431, %select_n3A_1404 : vector<16xi1>, vector<16xf32>
    %select_n3A_1433 = arith.select %gt3A_1420, %select_n3A_1410, %broadcast_in_dim3A_1423 : vector<16xi1>, vector<16xf32>
    %select_n3A_1434 = arith.select %gt3A_1421, %select_n3A_1433, %select_n3A_1406 : vector<16xi1>, vector<16xf32>
    %select_n3A_1435 = arith.select %gt3A_1420, %select_n3A_1411, %broadcast_in_dim3A_1424 : vector<16xi1>, vector<16xf32>
    %select_n3A_1436 = arith.select %gt3A_1421, %select_n3A_1435, %select_n3A_1408 : vector<16xi1>, vector<16xf32>
    %select_n3A_1437 = arith.select %gt3A_1420, %max3A_1419, %select_n3A_1409 : vector<16xi1>, vector<16xf32>
    %select_n3A_1438 = arith.select %gt3A_1420, %broadcast_in_dim3A_1423, %select_n3A_1410 : vector<16xi1>, vector<16xf32>
    %select_n3A_1439 = arith.select %gt3A_1420, %broadcast_in_dim3A_1424, %select_n3A_1411 : vector<16xi1>, vector<16xf32>
    %min3A_1440 = vector.broadcast %min3A_423 : f32 to vector<16xf32>
    %min3A_1441 = arith.minimumf %min3A_1440, %add3A_568 : vector<16xf32>
    %max3A_1442 = vector.broadcast %min3A_417 : f32 to vector<16xf32>
    %max3A_1443 = arith.maximumf %max3A_1442, %mul3A_565 : vector<16xf32>
    %sub3A_1444 = arith.subf %min3A_1441, %max3A_1443 : vector<16xf32>
    %max3A_1445 = arith.constant 0.000000e+00 : f32
    %max3A_1446 = vector.broadcast %max3A_1445 : f32 to vector<16xf32>
    %max3A_1447 = arith.maximumf %sub3A_1444, %max3A_1446 : vector<16xf32>
    %gt3A_1448 = arith.cmpf ogt, %max3A_1447, %select_n3A_1437 : vector<16xf32>
    %gt3A_1449 = arith.cmpf ogt, %max3A_1447, %select_n3A_1432 : vector<16xf32>
    %gt3A_1450 = arith.cmpf ogt, %max3A_1447, %select_n3A_1426 : vector<16xf32>
    %broadcast_in_dim3A_1451 = vector.broadcast %min3A_417 : f32 to vector<16xf32>
    %broadcast_in_dim3A_1452 = vector.broadcast %min3A_423 : f32 to vector<16xf32>
    %select_n3A_1453 = arith.select %gt3A_1449, %select_n3A_1432, %max3A_1447 : vector<16xi1>, vector<16xf32>
    %select_n3A_1454 = arith.select %gt3A_1450, %select_n3A_1453, %select_n3A_1426 : vector<16xi1>, vector<16xf32>
    %select_n3A_1455 = arith.select %gt3A_1449, %select_n3A_1434, %broadcast_in_dim3A_1451 : vector<16xi1>, vector<16xf32>
    %select_n3A_1456 = arith.select %gt3A_1450, %select_n3A_1455, %select_n3A_1428 : vector<16xi1>, vector<16xf32>
    %select_n3A_1457 = arith.select %gt3A_1449, %select_n3A_1436, %broadcast_in_dim3A_1452 : vector<16xi1>, vector<16xf32>
    %select_n3A_1458 = arith.select %gt3A_1450, %select_n3A_1457, %select_n3A_1430 : vector<16xi1>, vector<16xf32>
    %select_n3A_1459 = arith.select %gt3A_1448, %select_n3A_1437, %max3A_1447 : vector<16xi1>, vector<16xf32>
    %select_n3A_1460 = arith.select %gt3A_1449, %select_n3A_1459, %select_n3A_1432 : vector<16xi1>, vector<16xf32>
    %select_n3A_1461 = arith.select %gt3A_1448, %select_n3A_1438, %broadcast_in_dim3A_1451 : vector<16xi1>, vector<16xf32>
    %select_n3A_1462 = arith.select %gt3A_1449, %select_n3A_1461, %select_n3A_1434 : vector<16xi1>, vector<16xf32>
    %select_n3A_1463 = arith.select %gt3A_1448, %select_n3A_1439, %broadcast_in_dim3A_1452 : vector<16xi1>, vector<16xf32>
    %select_n3A_1464 = arith.select %gt3A_1449, %select_n3A_1463, %select_n3A_1436 : vector<16xi1>, vector<16xf32>
    %select_n3A_1465 = arith.select %gt3A_1448, %max3A_1447, %select_n3A_1437 : vector<16xi1>, vector<16xf32>
    %select_n3A_1466 = arith.select %gt3A_1448, %broadcast_in_dim3A_1451, %select_n3A_1438 : vector<16xi1>, vector<16xf32>
    %select_n3A_1467 = arith.select %gt3A_1448, %broadcast_in_dim3A_1452, %select_n3A_1439 : vector<16xi1>, vector<16xf32>
    %broadcast_in_dim3A_1468 = arith.constant 1.000000e+00 : f32
    %broadcast_in_dim3A_1469 = vector.broadcast %broadcast_in_dim3A_1468 : f32 to vector<16xf32>
    %mul3A_1470 = arith.constant 16 : i32
    %mul3A_1471 = arith.muli %scan3A_557, %mul3A_1470 : i32
    %gt3A_1472 = arith.constant 0.000000e+00 : f32
    %gt3A_1473 = vector.broadcast %gt3A_1472 : f32 to vector<16xf32>
    %gt3A_1474 = arith.cmpf ogt, %select_n3A_1465, %gt3A_1473 : vector<16xf32>
    %select_n3A_1475 = arith.select %gt3A_1474, %broadcast_in_dim3A_1469, %broadcast_in_dim3A_571 : vector<16xi1>, vector<16xf32>
    %mul3A_1476 = vector.broadcast %select_n3A_556 : f32 to vector<16xf32>
    %mul3A_1477 = arith.mulf %select_n3A_1475, %mul3A_1476 : vector<16xf32>
    %swap3A = arith.constant 0 : i32
    %swap3A_1478 = arith.index_cast %swap3A : i32 to index
    %swap3A_1479 = arith.index_cast %mul3A_1471 : i32 to index
    %swap3A_1480 = tpu.vector_load %arg5[%swap3A_1478, %swap3A_1479] {strides = array<i32>} : memref<9x256xf32, #tpu.memory_space<vmem>>, vector<1x16xf32>,
    %swap3A_1481 = vector.shape_cast %swap3A_1480 : vector<1x16xf32> to vector<16xf32>
    %swap3A_1482 = vector.shape_cast %mul3A_1477 : vector<16xf32> to vector<1x16xf32>
    tpu.vector_store %arg5[%swap3A_1478, %swap3A_1479], %swap3A_1482 {strides = array<i32>} : memref<9x256xf32, #tpu.memory_space<vmem>>, vector<1x16xf32>,
    %mul3A_1483 = vector.broadcast %select_n3A_556 : f32 to vector<16xf32>
    %mul3A_1484 = arith.mulf %select_n3A_1466, %mul3A_1483 : vector<16xf32>
    %swap3A_1485 = arith.constant 3 : i32
    %swap3A_1486 = arith.index_cast %swap3A_1485 : i32 to index
    %swap3A_1487 = arith.index_cast %mul3A_1471 : i32 to index
    %swap3A_1488 = tpu.vector_load %arg5[%swap3A_1486, %swap3A_1487] {strides = array<i32>} : memref<9x256xf32, #tpu.memory_space<vmem>>, vector<1x16xf32>,
    %swap3A_1489 = vector.shape_cast %swap3A_1488 : vector<1x16xf32> to vector<16xf32>
    %swap3A_1490 = vector.shape_cast %mul3A_1484 : vector<16xf32> to vector<1x16xf32>
    tpu.vector_store %arg5[%swap3A_1486, %swap3A_1487], %swap3A_1490 {strides = array<i32>} : memref<9x256xf32, #tpu.memory_space<vmem>>, vector<1x16xf32>,
    %mul3A_1491 = vector.broadcast %select_n3A_556 : f32 to vector<16xf32>
    %mul3A_1492 = arith.mulf %select_n3A_1467, %mul3A_1491 : vector<16xf32>
    %swap3A_1493 = arith.constant 6 : i32
    %swap3A_1494 = arith.index_cast %swap3A_1493 : i32 to index
    %swap3A_1495 = arith.index_cast %mul3A_1471 : i32 to index
    %swap3A_1496 = tpu.vector_load %arg5[%swap3A_1494, %swap3A_1495] {strides = array<i32>} : memref<9x256xf32, #tpu.memory_space<vmem>>, vector<1x16xf32>,
    %swap3A_1497 = vector.shape_cast %swap3A_1496 : vector<1x16xf32> to vector<16xf32>
    %swap3A_1498 = vector.shape_cast %mul3A_1492 : vector<16xf32> to vector<1x16xf32>
    tpu.vector_store %arg5[%swap3A_1494, %swap3A_1495], %swap3A_1498 {strides = array<i32>} : memref<9x256xf32, #tpu.memory_space<vmem>>, vector<1x16xf32>,
    %gt3A_1499 = arith.constant 0.000000e+00 : f32
    %gt3A_1500 = vector.broadcast %gt3A_1499 : f32 to vector<16xf32>
    %gt3A_1501 = arith.cmpf ogt, %select_n3A_1460, %gt3A_1500 : vector<16xf32>
    %select_n3A_1502 = arith.select %gt3A_1501, %broadcast_in_dim3A_1469, %broadcast_in_dim3A_571 : vector<16xi1>, vector<16xf32>
    %mul3A_1503 = vector.broadcast %select_n3A_556 : f32 to vector<16xf32>
    %mul3A_1504 = arith.mulf %select_n3A_1502, %mul3A_1503 : vector<16xf32>
    %swap3A_1505 = arith.constant 1 : i32
    %swap3A_1506 = arith.index_cast %swap3A_1505 : i32 to index
    %swap3A_1507 = arith.index_cast %mul3A_1471 : i32 to index
    %swap3A_1508 = tpu.vector_load %arg5[%swap3A_1506, %swap3A_1507] {strides = array<i32>} : memref<9x256xf32, #tpu.memory_space<vmem>>, vector<1x16xf32>,
    %swap3A_1509 = vector.shape_cast %swap3A_1508 : vector<1x16xf32> to vector<16xf32>
    %swap3A_1510 = vector.shape_cast %mul3A_1504 : vector<16xf32> to vector<1x16xf32>
    tpu.vector_store %arg5[%swap3A_1506, %swap3A_1507], %swap3A_1510 {strides = array<i32>} : memref<9x256xf32, #tpu.memory_space<vmem>>, vector<1x16xf32>,
    %mul3A_1511 = vector.broadcast %select_n3A_556 : f32 to vector<16xf32>
    %mul3A_1512 = arith.mulf %select_n3A_1462, %mul3A_1511 : vector<16xf32>
    %swap3A_1513 = arith.constant 4 : i32
    %swap3A_1514 = arith.index_cast %swap3A_1513 : i32 to index
    %swap3A_1515 = arith.index_cast %mul3A_1471 : i32 to index
    %swap3A_1516 = tpu.vector_load %arg5[%swap3A_1514, %swap3A_1515] {strides = array<i32>} : memref<9x256xf32, #tpu.memory_space<vmem>>, vector<1x16xf32>,
    %swap3A_1517 = vector.shape_cast %swap3A_1516 : vector<1x16xf32> to vector<16xf32>
    %swap3A_1518 = vector.shape_cast %mul3A_1512 : vector<16xf32> to vector<1x16xf32>
    tpu.vector_store %arg5[%swap3A_1514, %swap3A_1515], %swap3A_1518 {strides = array<i32>} : memref<9x256xf32, #tpu.memory_space<vmem>>, vector<1x16xf32>,
    %mul3A_1519 = vector.broadcast %select_n3A_556 : f32 to vector<16xf32>
    %mul3A_1520 = arith.mulf %select_n3A_1464, %mul3A_1519 : vector<16xf32>
    %swap3A_1521 = arith.constant 7 : i32
    %swap3A_1522 = arith.index_cast %swap3A_1521 : i32 to index
    %swap3A_1523 = arith.index_cast %mul3A_1471 : i32 to index
    %swap3A_1524 = tpu.vector_load %arg5[%swap3A_1522, %swap3A_1523] {strides = array<i32>} : memref<9x256xf32, #tpu.memory_space<vmem>>, vector<1x16xf32>,
    %swap3A_1525 = vector.shape_cast %swap3A_1524 : vector<1x16xf32> to vector<16xf32>
    %swap3A_1526 = vector.shape_cast %mul3A_1520 : vector<16xf32> to vector<1x16xf32>
    tpu.vector_store %arg5[%swap3A_1522, %swap3A_1523], %swap3A_1526 {strides = array<i32>} : memref<9x256xf32, #tpu.memory_space<vmem>>, vector<1x16xf32>,
    %gt3A_1527 = arith.constant 0.000000e+00 : f32
    %gt3A_1528 = vector.broadcast %gt3A_1527 : f32 to vector<16xf32>
    %gt3A_1529 = arith.cmpf ogt, %select_n3A_1454, %gt3A_1528 : vector<16xf32>
    %select_n3A_1530 = arith.select %gt3A_1529, %broadcast_in_dim3A_1469, %broadcast_in_dim3A_571 : vector<16xi1>, vector<16xf32>
    %mul3A_1531 = vector.broadcast %select_n3A_556 : f32 to vector<16xf32>
    %mul3A_1532 = arith.mulf %select_n3A_1530, %mul3A_1531 : vector<16xf32>
    %swap3A_1533 = arith.constant 2 : i32
    %swap3A_1534 = arith.index_cast %swap3A_1533 : i32 to index
    %swap3A_1535 = arith.index_cast %mul3A_1471 : i32 to index
    %swap3A_1536 = tpu.vector_load %arg5[%swap3A_1534, %swap3A_1535] {strides = array<i32>} : memref<9x256xf32, #tpu.memory_space<vmem>>, vector<1x16xf32>,
    %swap3A_1537 = vector.shape_cast %swap3A_1536 : vector<1x16xf32> to vector<16xf32>
    %swap3A_1538 = vector.shape_cast %mul3A_1532 : vector<16xf32> to vector<1x16xf32>
    tpu.vector_store %arg5[%swap3A_1534, %swap3A_1535], %swap3A_1538 {strides = array<i32>} : memref<9x256xf32, #tpu.memory_space<vmem>>, vector<1x16xf32>,
    %mul3A_1539 = vector.broadcast %select_n3A_556 : f32 to vector<16xf32>
    %mul3A_1540 = arith.mulf %select_n3A_1456, %mul3A_1539 : vector<16xf32>
    %swap3A_1541 = arith.constant 5 : i32
    %swap3A_1542 = arith.index_cast %swap3A_1541 : i32 to index
    %swap3A_1543 = arith.index_cast %mul3A_1471 : i32 to index
    %swap3A_1544 = tpu.vector_load %arg5[%swap3A_1542, %swap3A_1543] {strides = array<i32>} : memref<9x256xf32, #tpu.memory_space<vmem>>, vector<1x16xf32>,
    %swap3A_1545 = vector.shape_cast %swap3A_1544 : vector<1x16xf32> to vector<16xf32>
    %swap3A_1546 = vector.shape_cast %mul3A_1540 : vector<16xf32> to vector<1x16xf32>
    tpu.vector_store %arg5[%swap3A_1542, %swap3A_1543], %swap3A_1546 {strides = array<i32>} : memref<9x256xf32, #tpu.memory_space<vmem>>, vector<1x16xf32>,
    %mul3A_1547 = vector.broadcast %select_n3A_556 : f32 to vector<16xf32>
    %mul3A_1548 = arith.mulf %select_n3A_1458, %mul3A_1547 : vector<16xf32>
    %swap3A_1549 = arith.constant 8 : i32
    %swap3A_1550 = arith.index_cast %swap3A_1549 : i32 to index
    %swap3A_1551 = arith.index_cast %mul3A_1471 : i32 to index
    %swap3A_1552 = tpu.vector_load %arg5[%swap3A_1550, %swap3A_1551] {strides = array<i32>} : memref<9x256xf32, #tpu.memory_space<vmem>>, vector<1x16xf32>,
    %swap3A_1553 = vector.shape_cast %swap3A_1552 : vector<1x16xf32> to vector<16xf32>
    %swap3A_1554 = vector.shape_cast %mul3A_1548 : vector<16xf32> to vector<1x16xf32>
    tpu.vector_store %arg5[%swap3A_1550, %swap3A_1551], %swap3A_1554 {strides = array<i32>} : memref<9x256xf32, #tpu.memory_space<vmem>>, vector<1x16xf32>,
    %scan3A_1555 = arith.constant 0 : i32
    %scan3A_1556 = arith.constant 1 : i32
    %dma_start3A = arith.constant 0 : i32
    %dma_start3A_1557 = tpu.memref_slice %arg3[%select_n3A, %dma_start3A, %mul3A_32] : memref<16x9x512xf32, #tpu.memory_space<hbm>> -> memref<1x9x256xf32, #tpu.memory_space<hbm>>
    %dma_start3A_1558 = tpu.memref_squeeze %dma_start3A_1557 : memref<1x9x256xf32, #tpu.memory_space<hbm>> -> memref<9x256xf32, #tpu.memory_space<hbm>>
    %dma_start3A_1559 = arith.constant 0 : i32
    %dma_start3A_1560 = tpu.memref_slice %arg3[%select_n3A, %dma_start3A_1559, %mul3A_32] : memref<16x9x512xf32, #tpu.memory_space<hbm>> -> memref<1x9x256xf32, #tpu.memory_space<hbm>>
    %dma_start3A_1561 = tpu.memref_squeeze %dma_start3A_1560 : memref<1x9x256xf32, #tpu.memory_space<hbm>> -> memref<9x256xf32, #tpu.memory_space<hbm>>
    tpu.enqueue_dma source(%arg5 : memref<9x256xf32, #tpu.memory_space<vmem>>) target(%dma_start3A_1561 : memref<9x256xf32, #tpu.memory_space<hbm>>) target_semaphore(%arg6 : memref<!tpu.dma_semaphore, #tpu.memory_space<semaphore_mem>>)
    %dma_wait3A = arith.constant 0 : i32
    %dma_wait3A_1562 = tpu.memref_slice %arg3[%select_n3A, %dma_wait3A, %mul3A_32] : memref<16x9x512xf32, #tpu.memory_space<hbm>> -> memref<1x9x256xf32, #tpu.memory_space<hbm>>
    %dma_wait3A_1563 = tpu.memref_squeeze %dma_wait3A_1562 : memref<1x9x256xf32, #tpu.memory_space<hbm>> -> memref<9x256xf32, #tpu.memory_space<hbm>>
    %dma_wait3A_1564 = arith.constant 0 : i32
    %dma_wait3A_1565 = tpu.memref_slice %arg3[%select_n3A, %dma_wait3A_1564, %mul3A_32] : memref<16x9x512xf32, #tpu.memory_space<hbm>> -> memref<1x9x256xf32, #tpu.memory_space<hbm>>
    %dma_wait3A_1566 = tpu.memref_squeeze %dma_wait3A_1565 : memref<1x9x256xf32, #tpu.memory_space<hbm>> -> memref<9x256xf32, #tpu.memory_space<hbm>>
    tpu.wait_dma2 semaphore(%arg6 : memref<!tpu.dma_semaphore, #tpu.memory_space<semaphore_mem>>) src(%arg5 : memref<9x256xf32, #tpu.memory_space<vmem>>) dst(%dma_wait3A_1566 : memref<9x256xf32, #tpu.memory_space<hbm>>)
    return
  }
}

</mosaic_0001>

<sc_bundles>
// kernel: kernel.3.cloned.1.call-start
scs
__scs_entry_jumppad:
0x0: {  	(pc) =	sbr.rel $0x88, $3  }
0x1: {  	(tag) =	ssettag $0x0;
	lr =	simm.s32 $0x1  }
0x2: {  	[smem:$0x3FA0] =	sst lr;
	_ =	strace $0xD0000000  }
0x3: {  	_ = 	snop  }
0x4: {  	_ = 	snop  }
0x5: {  	_ = 	snop  }
0x6: {  	_ = 	snop  }
0x7: {  	_ = 	snop  }
__scs_overlays_trampoline_lowered:
0x8: {  	[smem:$0x3FAF] =	sst s0  }
0x9: {  	[smem:$0x3FB0] =	sst s1  }
0xa: {  	[smem:$0x3FB1] =	sst s2  }
0xb: {  	[smem:$0x3FB2] =	sst s3  }
0xc: {  	[smem:$0x3FB3] =	sst s4  }
0xd: {  	[smem:$0x3FB4] =	sst s5  }
0xe: {  	[smem:$0x3FB5] =	sst s6  }
0xf: {  	[smem:$0x3FB6] =	sst s7  }
0x10: {  	[smem:$0x3FB7] =	sst s8  }
0x11: {  	[smem:$0x3FB8] =	sst s9;
	s0 =	simm.s32 @!p0 $0x0  }
0x12: {  	s1 =	sld [smem:$0x3F9E];
	s0 =	simm.s32 @p0 $0x1  }
0x13: {  	[smem:$0x3FB9] =	sst s0;
	s0 =	simm.s32 @!p1 $0x0  }
0x14: {  	s2 =	sld [smem:$0x3F9D];
	s0 =	simm.s32 @p1 $0x1  }
0x15: {  	[smem:$0x3FBA] =	sst s0;
	s0 =	simm.s32 @!p2 $0x0  }
0x16: {  	s3 =	sld [smem:$0x3FDB];
	s0 =	simm.s32 @p2 $0x1  }
0x17: {  	s4 =	simm.s32 $0x1BF5;
	[smem:$0x3FBC] =	sst s0  }
0x18: {  	s0 =	sld [smem:$0x3F9F];
	_ =	swait.ge [sflag:s4], $0x0  }
0x19: {  	s7 =	sld [smem:$0x3FA0]  }
0x1a: {  	s8 =	sadd.s32 $0xFFFFE003, lr  }
0x1b: {  	s9 =	sadd.s32 $0xFFFFFEF7, lr;
	s5 =	simm.s32 $0xFFFFFFFF;
	p2 =	slt.u32 s8, $0xFFFFF086  }
0x1c: {  	p1 =	slt.u32 s9, $0xF7A;
	s5 =	simm.s32 @!p2 $0x0  }
0x1d: {  	s5 =	simm.s32 @p1 $0x1;
	p0 =	seq.s32 s7, s2  }
0x1e: {  	s7 =	smul.u32 @!p0 $0xF7A, s2;
	p2 =	seq.s32 @!p0 s5, $0x0  }
0x1f: {  	s9 =	smul.u32 $0xF7A, s1;
	s8 =	simm.s32 @!p0 $0x1BF5;
	p2 =	por !p2, p0  }
0x20: {  	[sflag:s8] =	ssyncset.s32 @!p0 $0xFFFFF086;
	s6 =	sadd.s32 @!p0 s3, s7;
	s7 =	simm.s32 @!p0 $0x108  }
0x21: {  	s3 =	sadd.s32 s3, s9;
	s6 =	sadd.s32 @!p0 $0x88, s6;
	s7 =	simm.s32 @p2 $0x1082  }
0x22: {  	[simem:s7], [sflag:s8] =	dma.local @!p0 [hbm:s6], $0xF7A  }
0x23: {  	s9 =	sor.u32 $0xD0000000, s2;
	s6 =	simm.s32 $0x108;
	_ =	swait.ge @!p0 [sflag:s8], $0x0  }
0x24: {  	s3 =	sadd.s32 $0x88, s3;
	s6 =	simm.s32 @!p1 $0x1082;
	[sflag:s4] =	ssyncset.s32 $0xFFFFF086  }
0x25: {  	[simem:s6], [sflag:s4] =	dma.local [hbm:s3], $0xF7A  }
0x26: {  	[smem:$0x3FA0] =	sst s1;
	(tag) =	ssettag s2;
	_ =	strace s9  }
0x27: {  	s1 =	sld [smem:$0x3FB0]  }
0x28: {  	s2 =	sld [smem:$0x3FB1]  }
0x29: {  	s4 =	sld [smem:$0x3FB3]  }
0x2a: {  	p0 =	seq.s32 s5, $0x0;
	s5 =	sld [smem:$0x3FB4]  }
0x2b: {  	s6 =	sld [smem:$0x3FB5]  }
0x2c: {  	s7 =	sld [smem:$0x3FB6]  }
0x2d: {  	s3 =	simm.s32 $0x108;
	s8 =	sld [smem:$0x3FB7]  }
0x2e: {  	s3 =	simm.s32 @!p0 $0x1082;
	s9 =	sld [smem:$0x3FB8]  }
0x2f: {  	lr =	sadd.s32 s0, s3;
	s0 =	sld [smem:$0x3FAF]  }
0x30: {  	s3 =	sld [smem:$0x3FB2]  }
0x31: {  	[smem:$0x3FBB] =	sst s10  }
0x32: {  	s10 =	sld [smem:$0x3FB9];
	_ =	sdelay $0x3  }
0x33: {  	p0 =	seq.s32 s10, $0x1;
	s10 =	sld [smem:$0x3FBB];
	_ =	sdelay $0x3  }
0x34: {  	[smem:$0x3FBB] =	sst s10  }
0x35: {  	s10 =	sld [smem:$0x3FBA];
	_ =	sdelay $0x3  }
0x36: {  	p1 =	seq.s32 s10, $0x1;
	s10 =	sld [smem:$0x3FBB];
	_ =	sdelay $0x3  }
0x37: {  	[smem:$0x3FBB] =	sst s10  }
0x38: {  	s10 =	sld [smem:$0x3FBC]  }
0x39: {  	_ = 	snop;
	(pc) =	sbr.ind lr, $3  }
0x3a: {  	_ = 	snop  }
0x3b: {  	_ = 	snop  }
0x3c: {  	p2 =	seq.s32 s10, $0x1;
	s10 =	sld [smem:$0x3FBB]  }
0x3d: {  	_ =	shalt  }
0x3e: {  	_ =	shalt  }
0x3f: {  	_ =	shalt  }
0x40: {  	_ =	shalt  }
0x41: {  	_ =	shalt  }
0x42: {  	_ =	shalt  }
0x43: {  	_ =	shalt  }
0x44: {  	_ =	shalt  }
0x45: {  	_ =	shalt  }
0x46: {  	_ =	shalt  }
0x47: {  	_ =	shalt  }
0x48: {  	_ =	shalt  }
0x49: {  	_ =	shalt  }
0x4a: {  	_ =	shalt  }
0x4b: {  	_ =	shalt  }
0x4c: {  	_ =	shalt  }
0x4d: {  	_ =	shalt  }
0x4e: {  	_ =	shalt  }
0x4f: {  	_ =	shalt  }
0x50: {  	_ =	shalt  }
0x51: {  	_ =	shalt  }
0x52: {  	_ =	shalt  }
0x53: {  	_ =	shalt  }
0x54: {  	_ =	shalt  }
0x55: {  	_ =	shalt  }
0x56: {  	_ =	shalt  }
0x57: {  	_ =	shalt  }
0x58: {  	_ =	shalt  }
0x59: {  	_ =	shalt  }
0x5a: {  	_ =	shalt  }
0x5b: {  	_ =	shalt  }
0x5c: {  	_ =	shalt  }
0x5d: {  	_ =	shalt  }
0x5e: {  	_ =	shalt  }
0x5f: {  	_ =	shalt  }
0x60: {  	_ =	shalt  }
0x61: {  	_ =	shalt  }
0x62: {  	_ =	shalt  }
0x63: {  	_ =	shalt  }
0x64: {  	_ =	shalt  }
0x65: {  	_ =	shalt  }
0x66: {  	_ =	shalt  }
0x67: {  	_ =	shalt  }
0x68: {  	_ =	shalt  }
0x69: {  	_ =	shalt  }
0x6a: {  	_ =	shalt  }
0x6b: {  	_ =	shalt  }
0x6c: {  	_ =	shalt  }
0x6d: {  	_ =	shalt  }
0x6e: {  	_ =	shalt  }
0x6f: {  	_ =	shalt  }
0x70: {  	_ =	shalt  }
0x71: {  	_ =	shalt  }
0x72: {  	_ =	shalt  }
0x73: {  	_ =	shalt  }
0x74: {  	_ =	shalt  }
0x75: {  	_ =	shalt  }
0x76: {  	_ =	shalt  }
0x77: {  	_ =	shalt  }
0x78: {  	_ =	shalt  }
0x79: {  	_ =	shalt  }
0x7a: {  	_ =	shalt  }
0x7b: {  	_ =	shalt  }
0x7c: {  	_ =	shalt  }
0x7d: {  	_ =	shalt  }
0x7e: {  	_ =	shalt  }
0x7f: {  	_ =	shalt  }
0x80: {  	_ =	shalt  }
0x81: {  	_ =	shalt  }
0x82: {  	_ =	shalt  }
0x83: {  	_ =	shalt  }
0x84: {  	_ =	shalt  }
0x85: {  	_ =	shalt  }
0x86: {  	_ =	shalt  }
0x87: {  	_ =	shalt  }
.Lfunc_end0:
.L_simem_size_0:
called_computation_lowered:
.L_overlay_start_0:
0x88: {  	s2 =	sld [smem:$0x3FD9]  }
0x89: {  	s3 =	sld [smem:$0x3FFE];
	_ =	sdelay $0x1  }
0x8a: {  	s1 =	srdreg.scid  }
0x8b: {  	s0 =	sand.u32 $0x1, s1  }
0x8c: {  	s16 =	sshll.u32 s0, $0xA;
	s2 =	sadd.s32 s3, s2  }
0x8d: {  	s2 =	sadd.s32 s2, s16  }
0x8e: {  	[smem:$0x3FC7] =	sst s2  }
0x8f: {  	_ = 	snop  }
0x90: {  	(tm) =	ssettm $0x1  }
0x91: {  	s17 =	sld [smem:$0x3FFB];
	_ =	sdelay $0x3  }
0x92: {  	_ =	strace s17  }
0x93: {  	s2 =	sld [smem:$0x3FFC];
	_ =	sdelay $0x3  }
0x94: {  	_ =	strace s2  }
0x95: {  	s2 =	sld [smem:$0x3FFD];
	_ =	sdelay $0x3  }
0x96: {  	_ =	strace s2  }
0x97: {  	_ =	strace $0x8FFFFFFF  }
0x98: {  	s18 =	sld [smem:$0x3FDB];
	_ =	sdelay $0x1  }
0x99: {  	s19 =	simm.s32 $_scs_section_size  }
0x9a: {  	s4 =	simm.s32 $_size__tile_overlayer_lowered;
	s5 =	simm.s32 $_tile_overlayer_lowered  }
0x9b: {  	s22 =	simm.s32 $0x1BFF;
	s21 =	sshll.u32 s5, $0x1;
	s2 =	sadd.s32 s19, s18  }
0x9c: {  	s6 =	simm.s32 $0x0;
	s20 =	sshll.u32 s4, $0x1;
	s4 =	sadd.s32 s21, s2  }
0x9d: {  	[timem:s6], [sflag:s22] =	dma.local [hbm:s4], s20  }
0x9e: {  	_ =	swait.ge [sflag:s22], s20  }
0x9f: {  	s3 =	ssub.s32 $0x0, s20;
	[sflag:s22] =	ssyncset.done $0x0  }
0xa0: {  	[sflag:s22] =	ssyncadd.s32 s3;
	_ =	sdelay $0x1  }
0xa1: {  	s23 =	simm.s32 $0x1B8B  }
0xa2: {  	_ =	swait.ge [sflag:s23], $0x1  }
0xa3: {  	[sflag:s23] =	ssyncset.done $0x0  }
0xa4: {  	s25 =	simm.s32 $0x1B8E;
	s24 =	sld [smem:$0x3FFE];
	[sflag:s23] =	ssyncadd.s32 $0xFFFFFFFF  }
0xa5: {  	s26 =	simm.s32 $execute0_lowered;
	[smem:$0x3FD2] =	sst s25  }
0xa6: {  	s4 =	sshll.u32 s26, $0x1;
	_ =	strace $0x80000046;
	[dreg:$0x1] =	wrdreg $0xFFFFFFFF  }
0xa7: {  	s28 =	simm.s32 $_size_execute0_lowered;
	s2 =	sadd.s32 s2, s4;
	[dreg:$0x0] =	wrdreg $0x0  }
0xa8: {  	s4 =	sshll.u32 s28, $0x1;
	[dreg:$0x2] =	wrdreg s2  }
0xa9: {  	[dreg:$0x3] =	wrdreg s4  }
0xaa: {  	[dreg:$0x4] =	wrdreg $0xC0  }
0xab: {  	_ =	task [dreg:s6], $0x5FFFF  }
0xac: {  	[dreg:$0x1] =	wrdreg $0xFFFFFFFF  }
0xad: {  	[dreg:$0x0] =	wrdreg $0x60  }
0xae: {  	[dreg:$0x2] =	wrdreg s24  }
0xaf: {  	[dreg:$0x3] =	wrdreg $0x9  }
0xb0: {  	_ =	task.clear_ibuf [dreg:s6], $0x4FFFF;
	_ =	strace $0x90000046  }
0xb1: {  	s29 =	simm.s32 $0x9;
	_ =	strace $0x80000048  }
0xb2: {  	_ =	swait.ge [sflag:s29], $0x1  }
0xb3: {  	[sflag:s29] =	ssyncadd.s32 $0xFFFFFFFF  }
0xb4: {  	_ =	strace $0x90000048  }
0xb5: {  	_ =	sfence  }
0xb6: {  	s30 =	sld [smem:$0x0];
	_ =	sdelay $0x2  }
0xb7: {  	s31 =	sshll.u32 s1, $0xD;
	s1 =	sshrl.u32 s1, $0x2  }
0xb8: {  	s3 =	sand.u32 $0x4000, s31;
	s1 =	sadd.s32 s1, s30  }
0xb9: {  	s0 =	sor.u32 s3, s0;
	s1 =	sshll.u32 s1, $0x11  }
0xba: {  	s0 =	sor.u32 s1, s0  }
0xbb: {  	s0 =	sadd.s32 $0x8F2B, s0  }
0xbc: {  	[sflag:s0] =	ssyncadd.remote.s32 $0x1  }
0xbd: {  	_ =	sfence.sel $0xFFFF  }
0xbe: {  	[dreg:$0x0] =	wrdreg $0xFFFFFFFF;
	(pc) =	sbr.abs _section_cstart, $3  }
0xbf: {  	[dreg:$0x1] =	wrdreg $0xFFFFFFFF  }
0xc0: {  	_ =	task.clear_ibuf [dreg:s6], $0x2FFFF;
	_ =	strace $0x9FFFFFFF  }
0xc1: {  	(tm) =	ssettm $0x7FFFFFFF  }
tec
execute0_lowered:
.L_overlay_start_1:
0x0: {  	(tag) =	ssettag $0x1  }
0x1: {  	s0 =	srdreg.scid  }
0x2: {  	s3 =	stileid.u32;
	s22 =	rddreg [dreg:$0x0]  }
0x3: {  	s2 =	simm.s32 $0x1;
	s4 =	simm.s32 $0x0;
	s0 =	sand.u32 $0x1, s0  }
0x4: {  	s26 =	simm.f32 $1.000000000e+00;
	s29 =	simm.s32 $0x800;
	s1 =	sor.u32 s0, s3  }
0x5: {  	s30 =	simm.s32 $0x1000;
	p1 =	seq.s32 s0, $0x1;
	p0 =	seq.s32 s1, $0x0  }
0x6: {  	s31 =	simm.s32 $0x80;
	[smem:$0x7FF] =	sst s4;
	p0 =	por !p0, !p1  }
0x7: {  	_ =	strace $0x80000047;
	[dreg:$0x3] =	wrdreg s26;
	p0 =	por !p0, !p0  }
0x8: {  	v0 =	vlaneseq.u32;
	s23 =	sshll.u32 s0, $0x8;
	[dreg:$0x7] =	wrdreg s29;
	s2 =	simm.s32 @!p0 $0x0  }
0x9: {  	s0 =	ssub.s32 $0x2, s0;
	[dreg:$0x6] =	wrdreg s30;
	v0 =	vor.u32 s23, v0;
	s2 =	ssub.s32 s3, s2  }
0xa: {  	[dreg:$0x5] =	wrdreg s31;
	v0 =	vcvt.s32.f32 v0;
	s24 =	sshll.u32 s2, $0x4;
	s2 =	sshll.u32 s2, $0xA  }
0xb: {  	s5 =	sadd.s32 s23, s22;
	s4 =	sand.u32 $0x1FFFFFF0, s24;
	s2 =	sand.u32 $0x1FFFFC00, s2  }
0xc: {  	s28 =	sshrl.u32 s0, $0x1;
	v0 =	vmul.f32 $1.953125000e-03, v0;
	s1 =	sadd.s32 s22, s4;
	s2 =	sadd.s32 s2, s5  }
0xd: {  	s0 =	ssub.s32 s0, s28;
	[dreg:$0x2] =	wrdreg s1;
	s25 =	sadd.s32 $0x200, s2  }
0xe: {  	v1 =	vadd.f32 $1.953125000e-03, v0;
	s2 =	smax.u32 s0, $0x1;
	[dreg:$0x4] =	wrdreg s25  }
.LBB2_1:
0xf: {  	[dreg:$0x8] =	wrdreg s2  }
0x10: {  	s0 =	rddreg [dreg:$0x2];
	s1 =	simm.s32 $0x0;
	s25 =	simm.s32 $0x2  }
0x11: {  	[tilespmem:s1], [sflag:$0x2] =	stream.linear.gather [hbm4b:s0+s1], $0x80, $0x38;
	[tilespmem:$0x1080] =	vst v63  }
0x12: {  	_ =	swait.ge [sflag:s25], $0x80  }
0x13: {  	[sflag:s25] =	ssyncset.done $0x0  }
0x14: {  	[sflag:s25] =	ssyncadd.s32 $0xFFFFFF80  }
0x15: {  	v2 =	vld [tilespmem:$0x0];
	_ =	sdelay $0x4  }
0x16: {  	(v2sf) =	vpush v2, $0x0  }
0x17: {  	(v2sf) =	vpush v2, $0x1  }
0x18: {  	(v2sf) =	vpush v2, $0x2  }
0x19: {  	(v2sf) =	vpush v2, $0x3  }
0x1a: {  	(v2sf) =	vpush v2, $0x4  }
0x1b: {  	(v2sf) =	vpush v2, $0x5  }
0x1c: {  	(v2sf) =	vpush v2, $0x6  }
0x1d: {  	(v2sf) =	vpush v2, $0x7  }
0x1e: {  	(v2sf) =	vpush v2, $0x8  }
0x1f: {  	(v2sf) =	vpush v2, $0x9  }
0x20: {  	(v2sf) =	vpush v2, $0xA  }
0x21: {  	v3 =	vld [tilespmem:$0x10];
	(v2sf) =	vpush v2, $0xB  }
0x22: {  	(v2sf) =	vpush v2, $0xC  }
0x23: {  	(v2sf) =	vpush v2, $0xD  }
0x24: {  	(v2sf) =	vpush v2, $0xE  }
0x25: {  	(v2sf) =	vpush v2, $0xF;
	s29 =	spop (v2sf)  }
0x26: {  	(v2sf) =	vpush v3, $0x0;
	s20 =	spop (v2sf)  }
0x27: {  	(v2sf) =	vpush v3, $0x1;
	s28 =	spop (v2sf)  }
0x28: {  	(v2sf) =	vpush v3, $0x2;
	s21 =	spop (v2sf)  }
0x29: {  	(v2sf) =	vpush v3, $0x3;
	s22 =	spop (v2sf)  }
0x2a: {  	(v2sf) =	vpush v3, $0x4;
	s23 =	spop (v2sf)  }
0x2b: {  	(v2sf) =	vpush v3, $0x5;
	s19 =	spop (v2sf)  }
0x2c: {  	(v2sf) =	vpush v3, $0x6;
	s26 =	spop (v2sf)  }
0x2d: {  	(v2sf) =	vpush v3, $0x7;
	s17 =	spop (v2sf)  }
0x2e: {  	(v2sf) =	vpush v3, $0x8;
	s18 =	spop (v2sf)  }
0x2f: {  	(v2sf) =	vpush v3, $0x9;
	s9 =	spop (v2sf)  }
0x30: {  	(v2sf) =	vpush v3, $0xA;
	s10 =	spop (v2sf)  }
0x31: {  	v2 =	vld [tilespmem:$0x20];
	(v2sf) =	vpush v3, $0xB;
	s3 =	spop (v2sf)  }
0x32: {  	(v2sf) =	vpush v3, $0xC;
	s5 =	spop (v2sf)  }
0x33: {  	(v2sf) =	vpush v3, $0xD;
	s4 =	spop (v2sf)  }
0x34: {  	(v2sf) =	vpush v3, $0xE;
	s8 =	spop (v2sf)  }
0x35: {  	(v2sf) =	vpush v3, $0xF;
	s0 =	spop (v2sf)  }
0x36: {  	(v2sf) =	vpush v2, $0x0;
	s2 =	spop (v2sf)  }
0x37: {  	(v2sf) =	vpush v2, $0x1;
	s11 =	spop (v2sf)  }
0x38: {  	(v2sf) =	vpush v2, $0x2;
	s14 =	spop (v2sf)  }
0x39: {  	s29 =	smax.f32 s29, $0.0e+00;
	(v2sf) =	vpush v2, $0x3;
	s15 =	spop (v2sf)  }
0x3a: {  	s20 =	smax.f32 s20, $0.0e+00;
	(v2sf) =	vpush v2, $0x4;
	s16 =	spop (v2sf)  }
0x3b: {  	s20 =	smin.f32 s20, $1.000000000e+00;
	(v2sf) =	vpush v2, $0x5;
	s6 =	spop (v2sf)  }
0x3c: {  	s28 =	smax.f32 s28, $0.0e+00;
	(v2sf) =	vpush v2, $0x6;
	s1 =	spop (v2sf)  }
0x3d: {  	s21 =	smax.f32 s21, $0.0e+00;
	(v2sf) =	vpush v2, $0x7;
	s12 =	spop (v2sf)  }
0x3e: {  	s22 =	smax.f32 s22, $0.0e+00;
	(v2sf) =	vpush v2, $0x8;
	s7 =	spop (v2sf)  }
0x3f: {  	s23 =	smax.f32 s23, $0.0e+00;
	(v2sf) =	vpush v2, $0x9;
	s24 =	spop (v2sf)  }
0x40: {  	s22 =	smin.f32 s22, $1.000000000e+00;
	(v2sf) =	vpush v2, $0xA;
	s13 =	spop (v2sf)  }
0x41: {  	s19 =	smax.f32 s19, $0.0e+00;
	v3 =	vld [tilespmem:$0x30];
	(v2sf) =	vpush v2, $0xB;
	s31 =	spop (v2sf)  }
0x42: {  	s19 =	smin.f32 s19, $1.000000000e+00;
	(v2sf) =	vpush v2, $0xC;
	s25 =	spop (v2sf)  }
0x43: {  	s17 =	smax.f32 s17, $0.0e+00;
	(v2sf) =	vpush v2, $0xD;
	s30 =	spop (v2sf)  }
0x44: {  	(v2sf) =	vpush v2, $0xE;
	[dreg:$0x15] =	wrdreg s30;
	s30 =	spop (v2sf)  }
0x45: {  	(v2sf) =	vpush v2, $0xF;
	[dreg:$0x16] =	wrdreg s30;
	s30 =	spop (v2sf)  }
0x46: {  	(v2sf) =	vpush v3, $0x0;
	[dreg:$0x13] =	wrdreg s30;
	s30 =	spop (v2sf)  }
0x47: {  	(v2sf) =	vpush v3, $0x1;
	[dreg:$0x14] =	wrdreg s30;
	s30 =	spop (v2sf)  }
0x48: {  	(v2sf) =	vpush v3, $0x2;
	[dreg:$0x11] =	wrdreg s30;
	s30 =	spop (v2sf)  }
0x49: {  	s17 =	smin.f32 s17, $1.000000000e+00;
	(v2sf) =	vpush v3, $0x3;
	[dreg:$0x12] =	wrdreg s30  }
0x4a: {  	s30 =	smin.f32 s29, $1.000000000e+00;
	s29 =	spop (v2sf);
	(v2sf) =	vpush v3, $0x4  }
0x4b: {  	[dreg:$0xf] =	wrdreg s29;
	s29 =	spop (v2sf);
	(v2sf) =	vpush v3, $0x5  }
0x4c: {  	[dreg:$0x10] =	wrdreg s29;
	s29 =	spop (v2sf);
	(v2sf) =	vpush v3, $0x6  }
0x4d: {  	[dreg:$0xe] =	wrdreg s29;
	s29 =	spop (v2sf);
	(v2sf) =	vpush v3, $0x7  }
0x4e: {  	s5 =	smax.f32 s5, $0.0e+00;
	[dreg:$0xd] =	wrdreg s29;
	(v2sf) =	vpush v3, $0x8  }
0x4f: {  	v60 =	vmov s20;
	s29 =	smin.f32 s28, $1.000000000e+00;
	s28 =	spop (v2sf);
	(v2sf) =	vpush v3, $0x9  }
0x50: {  	v2 =	vmin.f32 v1, s20;
	v4 =	vmax.f32 v0, s30;
	[dreg:$0xb] =	wrdreg s28;
	s28 =	spop (v2sf);
	(v2sf) =	vpush v3, $0xA  }
0x51: {  	v8 =	vmax.f32 v0, s22;
	s5 =	smin.f32 s5, $1.000000000e+00;
	v2 =	vsub.f32 v2, v4;
	[dreg:$0xc] =	wrdreg s28;
	(v2sf) =	vpush v3, $0xB  }
0x52: {  	v13 =	vmax.f32 v0, s19;
	v25 =	vmax.f32 v0, s17;
	s28 =	smin.f32 s21, $1.000000000e+00;
	s21 =	spop (v2sf);
	(v2sf) =	vpush v3, $0xC  }
0x53: {  	v39 =	vmin.f32 v1, s5;
	v2 =	vmax.f32 v2, $0.0e+00;
	[dreg:$0xa] =	wrdreg s21;
	s21 =	spop (v2sf);
	(v2sf) =	vpush v3, $0xD  }
0x54: {  	v5 =	vmax.f32 v0, s29;
	v59 =	vmin.f32 v1, s28;
	[dreg:$0x9] =	wrdreg s21;
	s21 =	smin.f32 s23, $1.000000000e+00;
	(v2sf) =	vpush v3, $0xE  }
0x55: {  	v7 =	vmin.f32 v1, s21;
	(v2sf) =	vpush v3, $0xF;
	v3 =	vsub.f32 v59, v5  }
0x56: {  	v61 =	vmov s30;
	vm0 =	vgt.f32 v2, $-1.000000000e+00;
	v7 =	vsub.f32 v7, v8  }
0x57: {  	v2 =	vnsel vm0, $0xBF800000, v2;
	v4 =	vnsel vm0, $0x0, v60;
	v3 =	vmax.f32 v3, $0.0e+00  }
0x58: {  	v5 =	vnsel vm0, $0x0, v61;
	v18 =	vmax.f32 v7, $0.0e+00;
	vm7 =	vgt.f32 v3, v2  }
0x59: {  	vm2 =	vgt.f32 v18, $-1.000000000e+00;
	vm1 =	vgt.f32 v3, $-1.000000000e+00;
	v6 =	vsel vm7, v2, v3  }
0x5a: {  	s26 =	smax.f32 s26, $0.0e+00;
	[dreg:$0x18] =	wrdreg s29;
	v9 =	vnsel vm7, s29, v5;
	v10 =	vnsel vm7, s28, v4;
	v2 =	vsel vm7, v3, v2  }
0x5b: {  	s10 =	smax.f32 s10, $0.0e+00;
	[dreg:$0x19] =	wrdreg s28;
	v3 =	vsel vm7, s29, v5;
	v4 =	vsel vm7, s28, v4;
	v6 =	vnsel vm1, $0xBF800000, v6  }
0x5c: {  	s29 =	smin.f32 s26, $1.000000000e+00;
	s28 =	smin.f32 s10, $1.000000000e+00;
	v62 =	vnsel vm1, $0x0, v9;
	v63 =	vnsel vm1, $0x0, v10;
	vm8 =	vgt.f32 v18, v2  }
0x5d: {  	v12 =	vmin.f32 v1, s29;
	v32 =	vmin.f32 v1, s28;
	vm9 =	vgt.f32 v18, v6  }
0x5e: {  	s18 =	smax.f32 s18, $0.0e+00;
	v14 =	vsel vm8, v2, v18;
	v15 =	vnsel vm8, s22, v3;
	v12 =	vsub.f32 v12, v13  }
0x5f: {  	s0 =	smax.f32 s0, $0.0e+00;
	[dreg:$0x17] =	wrdreg s30;
	s30 =	smov.u32 s29;
	v20 =	vnsel vm8, s21, v4;
	v2 =	vsel vm8, v18, v2;
	v3 =	vsel vm8, s22, v3  }
0x60: {  	s14 =	smax.f32 s14, $0.0e+00;
	v4 =	vsel vm8, s21, v4;
	[dreg:$0x1c] =	wrdreg s30;
	v7 =	vsel vm9, v6, v18;
	v19 =	vnsel vm9, s22, v62  }
0x61: {  	s30 =	smin.f32 s18, $1.000000000e+00;
	s18 =	smin.f32 s0, $1.000000000e+00;
	v11 =	vnsel vm9, s21, v63;
	v6 =	vsel vm9, v14, v6;
	v8 =	vsel vm9, v15, v62  }
0x62: {  	s14 =	smin.f32 s14, $1.000000000e+00;
	v9 =	vsel vm9, v20, v63;
	v24 =	vmin.f32 v1, s30;
	v56 =	vmax.f32 v0, s18  }
0x63: {  	v62 =	vmin.f32 v1, s14;
	v7 =	vnsel vm2, $0xBF800000, v7;
	v21 =	vmax.f32 v12, $0.0e+00  }
0x64: {  	v10 =	vnsel vm2, $0x0, v19;
	v11 =	vnsel vm2, $0x0, v11;
	vm10 =	vgt.f32 v21, v6  }
0x65: {  	[dreg:$0x1b] =	wrdreg s19;
	s9 =	smax.f32 s9, $0.0e+00;
	vm11 =	vgt.f32 v21, v2;
	vm12 =	vgt.f32 v21, v7;
	v12 =	vsel vm10, v6, v21  }
0x66: {  	s3 =	smax.f32 s3, $0.0e+00;
	s4 =	smax.f32 s4, $0.0e+00;
	v22 =	vnsel vm10, s19, v8;
	v13 =	vnsel vm10, s29, v9;
	v23 =	vsel vm11, v2, v21  }
0x67: {  	s8 =	smax.f32 s8, $0.0e+00;
	s2 =	smax.f32 s2, $0.0e+00;
	v26 =	vnsel vm11, s19, v3;
	v27 =	vnsel vm11, s29, v4;
	v2 =	vsel vm11, v21, v2  }
0x68: {  	s11 =	smax.f32 s11, $0.0e+00;
	s16 =	smax.f32 s16, $0.0e+00;
	v3 =	vsel vm11, s19, v3;
	v4 =	vsel vm11, s29, v4;
	v7 =	vsel vm12, v12, v7  }
0x69: {  	s29 =	smin.f32 s9, $1.000000000e+00;
	s19 =	smin.f32 s3, $1.000000000e+00;
	v10 =	vsel vm12, v22, v10;
	v11 =	vsel vm12, v13, v11;
	v6 =	vsel vm10, v23, v6  }
0x6a: {  	s9 =	smin.f32 s4, $1.000000000e+00;
	s3 =	smin.f32 s8, $1.000000000e+00;
	v12 =	vsub.f32 v24, v25;
	v8 =	vsel vm10, v26, v8;
	v9 =	vsel vm10, v27, v9  }
0x6b: {  	s8 =	smin.f32 s2, $1.000000000e+00;
	s4 =	smin.f32 s11, $1.000000000e+00;
	v33 =	vmax.f32 v0, s29;
	v40 =	vmax.f32 v0, s19;
	v47 =	vmin.f32 v1, s3  }
0x6c: {  	s15 =	smax.f32 s15, $0.0e+00;
	s16 =	smin.f32 s16, $1.000000000e+00;
	v48 =	vmax.f32 v0, s9;
	v55 =	vmin.f32 v1, s8;
	v63 =	vmax.f32 v0, s4  }
0x6d: {  	s15 =	smin.f32 s15, $1.000000000e+00;
	v24 =	vmin.f32 v1, s16;
	v13 =	vsub.f32 v32, v33;
	v28 =	vmax.f32 v12, $0.0e+00  }
0x6e: {  	v25 =	vmax.f32 v0, s15;
	vm13 =	vgt.f32 v28, v2;
	vm14 =	vgt.f32 v28, v6  }
0x6f: {  	vm15 =	vgt.f32 v28, v7;
	v36 =	vmax.f32 v13, $0.0e+00;
	v12 =	vsel vm14, v6, v28  }
0x70: {  	v29 =	vnsel vm14, s17, v8;
	v30 =	vnsel vm14, s30, v9;
	v31 =	vsel vm13, v2, v28  }
0x71: {  	v34 =	vnsel vm13, s17, v3;
	v35 =	vnsel vm13, s30, v4;
	v2 =	vsel vm13, v28, v2  }
0x72: {  	v3 =	vsel vm13, s17, v3;
	v4 =	vsel vm13, s30, v4;
	v7 =	vsel vm15, v12, v7  }
0x73: {  	[dreg:$0x1d] =	wrdreg s17;
	s1 =	smax.f32 s1, $0.0e+00;
	v10 =	vsel vm15, v29, v10;
	v11 =	vsel vm15, v30, v11;
	v6 =	vsel vm14, v31, v6  }
0x74: {  	s17 =	smax.f32 s6, $0.0e+00;
	s6 =	smin.f32 s1, $1.000000000e+00;
	v8 =	vsel vm14, v34, v8;
	v9 =	vsel vm14, v35, v9;
	vm4 =	vgt.f32 v36, v2  }
0x75: {  	v32 =	vmin.f32 v1, s6;
	vm5 =	vgt.f32 v36, v6;
	vm6 =	vgt.f32 v36, v7  }
0x76: {  	v41 =	vsel vm4, v2, v36;
	v42 =	vnsel vm4, s29, v3;
	v43 =	vnsel vm4, s28, v4  }
0x77: {  	s2 =	smin.f32 s17, $1.000000000e+00;
	v2 =	vsel vm4, v36, v2;
	v3 =	vsel vm4, s29, v3;
	v4 =	vsel vm4, s28, v4  }
0x78: {  	v33 =	vmax.f32 v0, s2;
	v12 =	vsel vm5, v6, v36;
	v37 =	vnsel vm5, s29, v8  }
0x79: {  	[dreg:$0x1a] =	wrdreg s22;
	v38 =	vnsel vm5, s28, v9;
	v7 =	vsel vm6, v12, v7;
	v12 =	vsub.f32 v39, v40  }
0x7a: {  	s23 =	smax.f32 s7, $0.0e+00;
	s22 =	smax.f32 s12, $0.0e+00;
	v6 =	vsel vm5, v41, v6;
	v8 =	vsel vm5, v42, v8;
	v9 =	vsel vm5, v43, v9  }
0x7b: {  	s12 =	smin.f32 s23, $1.000000000e+00;
	s7 =	smin.f32 s22, $1.000000000e+00;
	v10 =	vsel vm6, v37, v10;
	v11 =	vsel vm6, v38, v11;
	v44 =	vmax.f32 v12, $0.0e+00  }
0x7c: {  	v39 =	vmin.f32 v1, s12;
	v40 =	vmax.f32 v0, s7;
	vm7 =	vgt.f32 v44, v6  }
0x7d: {  	vm8 =	vgt.f32 v44, v2;
	vm9 =	vgt.f32 v44, v7;
	v12 =	vsel vm7, v6, v44  }
0x7e: {  	v45 =	vnsel vm7, s19, v8;
	v13 =	vnsel vm7, s5, v9;
	v46 =	vsel vm8, v2, v44  }
0x7f: {  	v49 =	vnsel vm8, s19, v3;
	v50 =	vnsel vm8, s5, v4;
	v2 =	vsel vm8, v44, v2  }
0x80: {  	s24 =	smax.f32 s24, $0.0e+00;
	s26 =	smax.f32 s13, $0.0e+00;
	v3 =	vsel vm8, s19, v3;
	v4 =	vsel vm8, s5, v4;
	v7 =	vsel vm9, v12, v7  }
0x81: {  	s13 =	smin.f32 s24, $1.000000000e+00;
	s10 =	smax.f32 s25, $0.0e+00;
	v10 =	vsel vm9, v45, v10;
	v11 =	vsel vm9, v13, v11;
	v6 =	vsel vm7, v46, v6  }
0x82: {  	s24 =	smin.f32 s26, $1.000000000e+00;
	s1 =	smax.f32 s31, $0.0e+00;
	v12 =	vsub.f32 v47, v48;
	v8 =	vsel vm7, v49, v8;
	v9 =	vsel vm7, v50, v9  }
0x83: {  	s31 =	smin.f32 s10, $1.000000000e+00;
	s25 =	smin.f32 s1, $1.000000000e+00;
	v13 =	vsub.f32 v55, v56;
	v47 =	vmin.f32 v1, s24;
	v48 =	vmax.f32 v0, s13  }
0x84: {  	v55 =	vmin.f32 v1, s31;
	v56 =	vmax.f32 v0, s25;
	v51 =	vmax.f32 v12, $0.0e+00  }
0x85: {  	v59 =	vmax.f32 v13, $0.0e+00;
	vm10 =	vgt.f32 v51, v2;
	vm11 =	vgt.f32 v51, v6  }
0x86: {  	vm12 =	vgt.f32 v51, v7;
	v12 =	vsel vm11, v6, v51;
	v52 =	vnsel vm11, s9, v8  }
0x87: {  	s23 =	rddreg [dreg:$0x13];
	v53 =	vnsel vm11, s3, v9;
	v54 =	vsel vm10, v2, v51;
	v57 =	vnsel vm10, s9, v3  }
0x88: {  	s22 =	rddreg [dreg:$0x17];
	v58 =	vnsel vm10, s3, v4;
	v2 =	vsel vm10, v51, v2;
	v3 =	vsel vm10, s9, v3  }
0x89: {  	s26 =	smax.f32 s23, $0.0e+00;
	s23 =	rddreg [dreg:$0x19];
	v4 =	vsel vm10, s3, v4;
	v7 =	vsel vm12, v12, v7;
	v10 =	vsel vm12, v52, v10  }
0x8a: {  	s17 =	rddreg [dreg:$0x16];
	v11 =	vsel vm12, v53, v11;
	v6 =	vsel vm11, v54, v6;
	v8 =	vsel vm11, v57, v8  }
0x8b: {  	s11 =	rddreg [dreg:$0x15];
	s1 =	smax.f32 s17, $0.0e+00;
	v9 =	vsel vm11, v58, v9;
	vm13 =	vgt.f32 v59, v2;
	vm14 =	vgt.f32 v59, v6  }
0x8c: {  	s10 =	smin.f32 s1, $1.000000000e+00;
	s1 =	ssub.f32 s20, s22;
	vm15 =	vgt.f32 v59, v7;
	v18 =	vsel vm13, v2, v59;
	v19 =	vnsel vm13, s18, v3  }
0x8d: {  	s20 =	rddreg [dreg:$0x14];
	v20 =	vnsel vm13, s8, v4;
	v2 =	vsel vm13, v59, v2;
	v3 =	vsel vm13, s18, v3  }
0x8e: {  	s0 =	smax.f32 s11, $0.0e+00;
	s22 =	rddreg [dreg:$0x18];
	v4 =	vsel vm13, s8, v4;
	v12 =	vsel vm14, v6, v59;
	v60 =	vnsel vm14, s18, v8  }
0x8f: {  	s17 =	smin.f32 s0, $1.000000000e+00;
	s28 =	ssub.f32 s28, s29;
	v61 =	vnsel vm14, s8, v9;
	v7 =	vsel vm15, v12, v7;
	v12 =	vsub.f32 v62, v63  }
0x90: {  	s29 =	rddreg [dreg:$0xe];
	s0 =	smax.f32 s20, $0.0e+00;
	v6 =	vsel vm14, v18, v6;
	v8 =	vsel vm14, v19, v8;
	v9 =	vsel vm14, v20, v9  }
0x91: {  	s20 =	smin.f32 s26, $1.000000000e+00;
	s26 =	rddreg [dreg:$0x1a];
	v10 =	vsel vm15, v60, v10;
	v11 =	vsel vm15, v61, v11;
	v21 =	vmax.f32 v12, $0.0e+00  }
0x92: {  	s11 =	smin.f32 s0, $1.000000000e+00;
	s0 =	ssub.f32 s23, s22;
	v62 =	vmin.f32 v1, s10;
	v63 =	vmax.f32 v0, s17;
	vm4 =	vgt.f32 v21, v6  }
0x93: {  	s1 =	smax.f32 s1, $0.0e+00;
	s22 =	rddreg [dreg:$0x11];
	vm5 =	vgt.f32 v21, v2;
	vm6 =	vgt.f32 v21, v7;
	v12 =	vsel vm4, v6, v21  }
0x94: {  	s1 =	sadd.f32 $0.0e+00, s1;
	v22 =	vnsel vm4, s4, v8;
	v13 =	vnsel vm4, s14, v9;
	v23 =	vsel vm5, v2, v21  }
0x95: {  	s23 =	rddreg [dreg:$0x12];
	s0 =	smax.f32 s0, $0.0e+00;
	v26 =	vnsel vm5, s4, v3;
	v27 =	vnsel vm5, s14, v4;
	v2 =	vsel vm5, v21, v2  }
0x96: {  	s0 =	sadd.f32 s1, s0;
	v3 =	vsel vm5, s4, v3;
	v4 =	vsel vm5, s14, v4;
	v7 =	vsel vm6, v12, v7  }
0x97: {  	s1 =	ssub.f32 s21, s26;
	s21 =	smax.f32 s22, $0.0e+00;
	v10 =	vsel vm6, v22, v10;
	v11 =	vsel vm6, v13, v11;
	v6 =	vsel vm4, v23, v6  }
0x98: {  	s22 =	smax.f32 s23, $0.0e+00;
	s26 =	rddreg [dreg:$0x1b];
	v12 =	vsub.f32 v24, v25;
	v8 =	vsel vm4, v26, v8;
	v9 =	vsel vm4, v27, v9  }
0x99: {  	s21 =	smin.f32 s21, $1.000000000e+00;
	s22 =	smin.f32 s22, $1.000000000e+00;
	v13 =	vsub.f32 v32, v33;
	v24 =	vmin.f32 v1, s11;
	v25 =	vmax.f32 v0, s20  }
0x9a: {  	s23 =	rddreg [dreg:$0x1c];
	v32 =	vmin.f32 v1, s22;
	v33 =	vmax.f32 v0, s21;
	v28 =	vmax.f32 v12, $0.0e+00  }
0x9b: {  	s26 =	ssub.f32 s23, s26;
	v36 =	vmax.f32 v13, $0.0e+00;
	vm7 =	vgt.f32 v28, v2;
	vm8 =	vgt.f32 v28, v6  }
0x9c: {  	s23 =	rddreg [dreg:$0x1d];
	s1 =	smax.f32 s1, $0.0e+00;
	vm9 =	vgt.f32 v28, v7;
	v12 =	vsel vm8, v6, v28;
	v29 =	vnsel vm8, s15, v8  }
0x9d: {  	s0 =	sadd.f32 s0, s1;
	v30 =	vnsel vm8, s16, v9;
	v31 =	vsel vm7, v2, v28;
	v34 =	vnsel vm7, s15, v3  }
0x9e: {  	s1 =	ssub.f32 s30, s23;
	v35 =	vnsel vm7, s16, v4;
	v2 =	vsel vm7, v28, v2;
	v3 =	vsel vm7, s15, v3  }
0x9f: {  	s26 =	smax.f32 s26, $0.0e+00;
	s30 =	rddreg [dreg:$0x10];
	v4 =	vsel vm7, s16, v4;
	v7 =	vsel vm9, v12, v7;
	v10 =	vsel vm9, v29, v10  }
0xa0: {  	s0 =	sadd.f32 s0, s26;
	v11 =	vsel vm9, v30, v11;
	v6 =	vsel vm8, v31, v6;
	v8 =	vsel vm8, v34, v8  }
0xa1: {  	s26 =	rddreg [dreg:$0xf];
	v9 =	vsel vm8, v35, v9;
	vm10 =	vgt.f32 v36, v2;
	vm11 =	vgt.f32 v36, v6  }
0xa2: {  	s1 =	smax.f32 s1, $0.0e+00;
	s9 =	ssub.f32 s3, s9;
	vm12 =	vgt.f32 v36, v7;
	v41 =	vsel vm10, v2, v36;
	v42 =	vnsel vm10, s2, v3  }
0xa3: {  	s3 =	smax.f32 s29, $0.0e+00;
	s29 =	rddreg [dreg:$0xb];
	v43 =	vnsel vm10, s6, v4;
	v2 =	vsel vm10, v36, v2;
	v3 =	vsel vm10, s2, v3  }
0xa4: {  	s23 =	smax.f32 s26, $0.0e+00;
	s26 =	smax.f32 s30, $0.0e+00;
	v4 =	vsel vm10, s6, v4;
	v12 =	vsel vm11, v6, v36;
	v37 =	vnsel vm11, s2, v8  }
0xa5: {  	s30 =	smax.f32 s28, $0.0e+00;
	s28 =	ssub.f32 s5, s19;
	v38 =	vnsel vm11, s6, v9;
	v7 =	vsel vm12, v12, v7;
	v12 =	vsub.f32 v39, v40  }
0xa6: {  	s19 =	ssub.f32 s8, s18;
	s23 =	smin.f32 s23, $1.000000000e+00;
	v6 =	vsel vm11, v41, v6;
	v8 =	vsel vm11, v42, v8;
	v9 =	vsel vm11, v43, v9  }
0xa7: {  	s26 =	smin.f32 s26, $1.000000000e+00;
	s0 =	sadd.f32 s0, s1;
	v10 =	vsel vm12, v37, v10;
	v11 =	vsel vm12, v38, v11;
	v44 =	vmax.f32 v12, $0.0e+00  }
0xa8: {  	s1 =	smax.f32 s28, $0.0e+00;
	s28 =	ssub.f32 s14, s4;
	v39 =	vmin.f32 v1, s26;
	v40 =	vmax.f32 v0, s23;
	vm13 =	vgt.f32 v44, v6  }
0xa9: {  	s18 =	ssub.f32 s16, s15;
	vm14 =	vgt.f32 v44, v2;
	vm15 =	vgt.f32 v44, v7;
	v12 =	vsel vm13, v6, v44  }
0xaa: {  	s0 =	sadd.f32 s0, s30;
	v45 =	vnsel vm13, s7, v8;
	v13 =	vnsel vm13, s12, v9;
	v46 =	vsel vm14, v2, v44  }
0xab: {  	s3 =	smin.f32 s3, $1.000000000e+00;
	s30 =	rddreg [dreg:$0xd];
	v49 =	vnsel vm14, s7, v3;
	v50 =	vnsel vm14, s12, v4;
	v2 =	vsel vm14, v44, v2  }
0xac: {  	s5 =	smax.f32 s30, $0.0e+00;
	s30 =	rddreg [dreg:$0xc];
	v3 =	vsel vm14, s7, v3;
	v4 =	vsel vm14, s12, v4;
	v7 =	vsel vm15, v12, v7  }
0xad: {  	s5 =	smin.f32 s5, $1.000000000e+00;
	s0 =	sadd.f32 s0, s1;
	v10 =	vsel vm15, v45, v10;
	v11 =	vsel vm15, v13, v11;
	v6 =	vsel vm13, v46, v6  }
0xae: {  	s8 =	smax.f32 s30, $0.0e+00;
	s4 =	smax.f32 s29, $0.0e+00;
	v12 =	vsub.f32 v47, v48;
	v8 =	vsel vm13, v49, v8;
	v9 =	vsel vm13, v50, v9  }
0xaf: {  	s8 =	smin.f32 s8, $1.000000000e+00;
	s4 =	smin.f32 s4, $1.000000000e+00;
	v13 =	vsub.f32 v55, v56;
	v47 =	vmin.f32 v1, s5;
	v48 =	vmax.f32 v0, s3  }
0xb0: {  	s1 =	smax.f32 s19, $0.0e+00;
	s19 =	ssub.f32 s6, s2;
	v55 =	vmin.f32 v1, s8;
	v56 =	vmax.f32 v0, s4;
	v51 =	vmax.f32 v12, $0.0e+00  }
0xb1: {  	s9 =	smax.f32 s9, $0.0e+00;
	s30 =	ssub.f32 s12, s7;
	v59 =	vmax.f32 v13, $0.0e+00;
	vm4 =	vgt.f32 v51, v2;
	vm5 =	vgt.f32 v51, v6  }
0xb2: {  	s0 =	sadd.f32 s0, s9;
	vm6 =	vgt.f32 v51, v7;
	v12 =	vsel vm5, v6, v51;
	v52 =	vnsel vm5, s13, v8  }
0xb3: {  	s14 =	smax.f32 s28, $0.0e+00;
	s28 =	rddreg [dreg:$0xa];
	v53 =	vnsel vm5, s24, v9;
	v54 =	vsel vm4, v2, v51;
	v57 =	vnsel vm4, s13, v3  }
0xb4: {  	s29 =	rddreg [dreg:$0x9];
	v58 =	vnsel vm4, s24, v4;
	v2 =	vsel vm4, v51, v2;
	v3 =	vsel vm4, s13, v3  }
0xb5: {  	s0 =	sadd.f32 s0, s1;
	v4 =	vsel vm4, s24, v4;
	v7 =	vsel vm6, v12, v7;
	v10 =	vsel vm6, v52, v10  }
0xb6: {  	s1 =	smax.f32 s18, $0.0e+00;
	s18 =	ssub.f32 s31, s25;
	v11 =	vsel vm6, v53, v11;
	v6 =	vsel vm5, v54, v6;
	v8 =	vsel vm5, v57, v8  }
0xb7: {  	s0 =	sadd.f32 s0, s14;
	v9 =	vsel vm5, v58, v9;
	vm7 =	vgt.f32 v59, v2;
	vm8 =	vgt.f32 v59, v6  }
0xb8: {  	s14 =	ssub.f32 s24, s13;
	vm9 =	vgt.f32 v59, v7;
	v18 =	vsel vm7, v2, v59;
	v19 =	vnsel vm7, s25, v3  }
0xb9: {  	s9 =	smax.f32 s19, $0.0e+00;
	s0 =	sadd.f32 s0, s1;
	v20 =	vnsel vm7, s31, v4;
	v2 =	vsel vm7, v59, v2;
	v3 =	vsel vm7, s25, v3  }
0xba: {  	s1 =	smax.f32 s30, $0.0e+00;
	s2 =	smax.f32 s28, $0.0e+00;
	v4 =	vsel vm7, s31, v4;
	v12 =	vsel vm8, v6, v59;
	v60 =	vnsel vm8, s25, v8  }
0xbb: {  	s6 =	smax.f32 s29, $0.0e+00;
	s0 =	sadd.f32 s0, s9;
	v61 =	vnsel vm8, s31, v9;
	v7 =	vsel vm9, v12, v7;
	v12 =	vsub.f32 v62, v63  }
0xbc: {  	s2 =	smin.f32 s2, $1.000000000e+00;
	s6 =	smin.f32 s6, $1.000000000e+00;
	v6 =	vsel vm8, v18, v6;
	v8 =	vsel vm8, v19, v8;
	v9 =	vsel vm8, v20, v9  }
0xbd: {  	s0 =	sadd.f32 s0, s1;
	s12 =	spop (v2sf);
	v10 =	vsel vm9, v60, v10;
	v11 =	vsel vm9, v61, v11;
	v21 =	vmax.f32 v12, $0.0e+00  }
0xbe: {  	s15 =	spop (v2sf);
	s1 =	smax.f32 s12, $0.0e+00;
	v62 =	vmin.f32 v1, s6;
	v63 =	vmax.f32 v0, s2;
	vm10 =	vgt.f32 v21, v6  }
0xbf: {  	s12 =	smax.f32 s14, $0.0e+00;
	s16 =	smax.f32 s15, $0.0e+00;
	vm11 =	vgt.f32 v21, v2;
	vm12 =	vgt.f32 v21, v7;
	v12 =	vsel vm10, v6, v21  }
0xc0: {  	s7 =	smin.f32 s1, $1.000000000e+00;
	s0 =	sadd.f32 s0, s12;
	v22 =	vnsel vm10, s17, v8;
	v13 =	vnsel vm10, s10, v9;
	v23 =	vsel vm11, v2, v21  }
0xc1: {  	s1 =	smax.f32 s18, $0.0e+00;
	s19 =	spop (v2sf);
	v26 =	vnsel vm11, s17, v3;
	v27 =	vnsel vm11, s10, v4;
	v2 =	vsel vm11, v21, v2  }
0xc2: {  	s9 =	smin.f32 s16, $1.000000000e+00;
	s0 =	sadd.f32 s0, s1;
	v3 =	vsel vm11, s17, v3;
	v4 =	vsel vm11, s10, v4;
	v7 =	vsel vm12, v12, v7  }
0xc3: {  	s1 =	smax.f32 s19, $0.0e+00;
	s25 =	spop (v2sf);
	v10 =	vsel vm12, v22, v10;
	v11 =	vsel vm12, v13, v11;
	v6 =	vsel vm10, v23, v6  }
0xc4: {  	s24 =	ssub.f32 s10, s17;
	s10 =	smax.f32 s25, $0.0e+00;
	v12 =	vsub.f32 v24, v25;
	v8 =	vsel vm10, v26, v8;
	v9 =	vsel vm10, v27, v9  }
0xc5: {  	s1 =	smin.f32 s1, $1.000000000e+00;
	v13 =	vsub.f32 v32, v33;
	v24 =	vmin.f32 v1, s9;
	v25 =	vmax.f32 v0, s7;
	s10 =	smin.f32 s10, $1.000000000e+00  }
0xc6: {  	v33 =	vmax.f32 v0, s1;
	v32 =	vmin.f32 v1, s10;
	v28 =	vmax.f32 v12, $0.0e+00  }
0xc7: {  	v36 =	vmax.f32 v13, $0.0e+00;
	vm13 =	vgt.f32 v28, v2;
	vm14 =	vgt.f32 v28, v6  }
0xc8: {  	vm15 =	vgt.f32 v28, v7;
	v12 =	vsel vm14, v6, v28;
	v29 =	vnsel vm14, s20, v8  }
0xc9: {  	v30 =	vnsel vm14, s11, v9;
	v31 =	vsel vm13, v2, v28;
	v34 =	vnsel vm13, s20, v3  }
0xca: {  	v35 =	vnsel vm13, s11, v4;
	v2 =	vsel vm13, v28, v2;
	v3 =	vsel vm13, s20, v3  }
0xcb: {  	v4 =	vsel vm13, s11, v4;
	v7 =	vsel vm15, v12, v7;
	v10 =	vsel vm15, v29, v10  }
0xcc: {  	v11 =	vsel vm15, v30, v11;
	v6 =	vsel vm14, v31, v6;
	v8 =	vsel vm14, v34, v8  }
0xcd: {  	v9 =	vsel vm14, v35, v9;
	vm4 =	vgt.f32 v36, v2;
	vm5 =	vgt.f32 v36, v6  }
0xce: {  	vm6 =	vgt.f32 v36, v7;
	v41 =	vsel vm4, v2, v36;
	v42 =	vnsel vm4, s21, v3  }
0xcf: {  	s28 =	ssub.f32 s11, s20;
	v43 =	vnsel vm4, s22, v4;
	v2 =	vsel vm4, v36, v2;
	v3 =	vsel vm4, s21, v3  }
0xd0: {  	s12 =	smax.f32 s24, $0.0e+00;
	s29 =	spop (v2sf);
	v4 =	vsel vm4, s22, v4;
	v12 =	vsel vm5, v6, v36;
	v37 =	vnsel vm5, s21, v8  }
0xd1: {  	s12 =	sadd.f32 s0, s12;
	s31 =	spop (v2sf);
	v38 =	vnsel vm5, s22, v9;
	v7 =	vsel vm6, v12, v7;
	v12 =	vsub.f32 v39, v40  }
0xd2: {  	s0 =	smax.f32 s29, $0.0e+00;
	s11 =	smax.f32 s31, $0.0e+00;
	v6 =	vsel vm5, v41, v6;
	v8 =	vsel vm5, v42, v8;
	v9 =	vsel vm5, v43, v9  }
0xd3: {  	s0 =	smin.f32 s0, $1.000000000e+00;
	s11 =	smin.f32 s11, $1.000000000e+00;
	v10 =	vsel vm6, v37, v10;
	v11 =	vsel vm6, v38, v11;
	v44 =	vmax.f32 v12, $0.0e+00  }
0xd4: {  	v39 =	vmin.f32 v1, s11;
	v40 =	vmax.f32 v0, s0;
	vm7 =	vgt.f32 v44, v6  }
0xd5: {  	s16 =	spop (v2sf);
	vm8 =	vgt.f32 v44, v2;
	vm9 =	vgt.f32 v44, v7;
	v12 =	vsel vm7, v6, v44  }
0xd6: {  	s30 =	ssub.f32 s22, s21;
	s18 =	spop (v2sf);
	v45 =	vnsel vm7, s23, v8;
	v13 =	vnsel vm7, s26, v9;
	v46 =	vsel vm8, v2, v44  }
0xd7: {  	s15 =	ssub.f32 s26, s23;
	s24 =	spop (v2sf);
	v49 =	vnsel vm8, s23, v3;
	v50 =	vnsel vm8, s26, v4;
	v2 =	vsel vm8, v44, v2  }
0xd8: {  	s19 =	smax.f32 s16, $0.0e+00;
	s25 =	spop (v2sf);
	v3 =	vsel vm8, s23, v3;
	v4 =	vsel vm8, s26, v4;
	v7 =	vsel vm9, v12, v7  }
0xd9: {  	s20 =	smax.f32 s18, $0.0e+00;
	s21 =	smin.f32 s19, $1.000000000e+00;
	v10 =	vsel vm9, v45, v10;
	v11 =	vsel vm9, v13, v11;
	v6 =	vsel vm7, v46, v6  }
0xda: {  	s22 =	smin.f32 s20, $1.000000000e+00;
	s26 =	smax.f32 s25, $0.0e+00;
	v12 =	vsub.f32 v47, v48;
	v8 =	vsel vm7, v49, v8;
	v13 =	vsub.f32 v55, v56  }
0xdb: {  	v9 =	vsel vm7, v50, v9;
	v47 =	vmin.f32 v1, s22;
	v48 =	vmax.f32 v0, s21;
	s29 =	smin.f32 s26, $1.000000000e+00  }
0xdc: {  	v55 =	vmin.f32 v1, s29;
	v51 =	vmax.f32 v12, $0.0e+00;
	v59 =	vmax.f32 v13, $0.0e+00  }
0xdd: {  	vm10 =	vgt.f32 v51, v2;
	vm11 =	vgt.f32 v51, v6;
	vm12 =	vgt.f32 v51, v7  }
0xde: {  	v12 =	vsel vm11, v6, v51;
	v52 =	vnsel vm11, s3, v8;
	v53 =	vnsel vm11, s5, v9  }
0xdf: {  	v54 =	vsel vm10, v2, v51;
	v57 =	vnsel vm10, s3, v3;
	v58 =	vnsel vm10, s5, v4  }
0xe0: {  	v2 =	vsel vm10, v51, v2;
	v3 =	vsel vm10, s3, v3;
	v4 =	vsel vm10, s5, v4  }
0xe1: {  	v7 =	vsel vm12, v12, v7;
	v10 =	vsel vm12, v52, v10;
	v11 =	vsel vm12, v53, v11  }
0xe2: {  	s13 =	smax.f32 s28, $0.0e+00;
	v6 =	vsel vm11, v54, v6;
	v8 =	vsel vm11, v57, v8;
	v9 =	vsel vm11, v58, v9  }
0xe3: {  	s12 =	sadd.f32 s12, s13;
	vm13 =	vgt.f32 v59, v2;
	vm14 =	vgt.f32 v59, v6;
	vm15 =	vgt.f32 v59, v7  }
0xe4: {  	s14 =	smax.f32 s30, $0.0e+00;
	v18 =	vsel vm13, v2, v59;
	v19 =	vnsel vm13, s4, v3;
	v20 =	vnsel vm13, s8, v4  }
0xe5: {  	s12 =	sadd.f32 s12, s14;
	v2 =	vsel vm13, v59, v2;
	v3 =	vsel vm13, s4, v3;
	v12 =	vsel vm14, v6, v59  }
0xe6: {  	s13 =	smax.f32 s15, $0.0e+00;
	s17 =	ssub.f32 s5, s3;
	v4 =	vsel vm13, s8, v4;
	v7 =	vsel vm15, v12, v7;
	v12 =	vsub.f32 v62, v63  }
0xe7: {  	s12 =	sadd.f32 s12, s13;
	v60 =	vnsel vm14, s4, v8;
	v61 =	vnsel vm14, s8, v9;
	v6 =	vsel vm14, v18, v6  }
0xe8: {  	s23 =	smax.f32 s17, $0.0e+00;
	v8 =	vsel vm14, v19, v8;
	v9 =	vsel vm14, v20, v9;
	s4 =	ssub.f32 s8, s4;
	v21 =	vmax.f32 v12, $0.0e+00  }
0xe9: {  	s8 =	sadd.f32 s12, s23;
	v10 =	vsel vm15, v60, v10;
	v11 =	vsel vm15, v61, v11;
	vm4 =	vgt.f32 v21, v6  }
0xea: {  	s4 =	smax.f32 s4, $0.0e+00;
	vm5 =	vgt.f32 v21, v2;
	vm6 =	vgt.f32 v21, v7;
	v12 =	vsel vm4, v6, v21  }
0xeb: {  	s8 =	sadd.f32 s8, s4;
	s4 =	smax.f32 s24, $0.0e+00;
	v22 =	vnsel vm4, s2, v8;
	v13 =	vnsel vm4, s6, v9;
	v23 =	vsel vm5, v2, v21  }
0xec: {  	s28 =	smin.f32 s4, $1.000000000e+00;
	v26 =	vnsel vm5, s2, v3;
	v27 =	vnsel vm5, s6, v4;
	v2 =	vsel vm5, v21, v2  }
0xed: {  	v3 =	vsel vm5, s2, v3;
	v4 =	vsel vm5, s6, v4;
	v56 =	vmax.f32 v0, s28  }
0xee: {  	v7 =	vsel vm6, v12, v7;
	v10 =	vsel vm6, v22, v10;
	v12 =	vsub.f32 v24, v25  }
0xef: {  	v11 =	vsel vm6, v13, v11;
	v6 =	vsel vm4, v23, v6;
	v13 =	vsub.f32 v32, v33  }
0xf0: {  	s6 =	ssub.f32 s6, s2;
	v8 =	vsel vm4, v26, v8;
	v9 =	vsel vm4, v27, v9;
	v28 =	vmax.f32 v12, $0.0e+00  }
0xf1: {  	v36 =	vmax.f32 v13, $0.0e+00;
	vm7 =	vgt.f32 v28, v2;
	vm8 =	vgt.f32 v28, v6  }
0xf2: {  	s30 =	spop (v2sf);
	s6 =	smax.f32 s6, $0.0e+00;
	vm9 =	vgt.f32 v28, v7;
	v12 =	vsel vm8, v6, v28;
	v29 =	vnsel vm8, s7, v8  }
0xf3: {  	s6 =	sadd.f32 s8, s6;
	s8 =	smax.f32 s30, $0.0e+00;
	v30 =	vnsel vm8, s9, v9;
	v31 =	vsel vm7, v2, v28;
	v34 =	vnsel vm7, s7, v3  }
0xf4: {  	s8 =	smin.f32 s8, $1.000000000e+00;
	v35 =	vnsel vm7, s9, v4;
	v2 =	vsel vm7, v28, v2;
	v3 =	vsel vm7, s7, v3  }
0xf5: {  	v4 =	vsel vm7, s9, v4;
	v63 =	vmax.f32 v0, s8;
	v7 =	vsel vm9, v12, v7  }
0xf6: {  	v10 =	vsel vm9, v29, v10;
	v11 =	vsel vm9, v30, v11;
	v6 =	vsel vm8, v31, v6  }
0xf7: {  	v8 =	vsel vm8, v34, v8;
	v9 =	vsel vm8, v35, v9;
	vm10 =	vgt.f32 v36, v2  }
0xf8: {  	s31 =	spop (v2sf);
	vm11 =	vgt.f32 v36, v6;
	vm12 =	vgt.f32 v36, v7;
	v41 =	vsel vm10, v2, v36  }
0xf9: {  	s7 =	ssub.f32 s9, s7;
	s9 =	smax.f32 s31, $0.0e+00;
	v42 =	vnsel vm10, s1, v3;
	v43 =	vnsel vm10, s10, v4;
	v2 =	vsel vm10, v36, v2  }
0xfa: {  	s9 =	smin.f32 s9, $1.000000000e+00;
	v3 =	vsel vm10, s1, v3;
	v4 =	vsel vm10, s10, v4;
	v12 =	vsel vm11, v6, v36  }
0xfb: {  	v62 =	vmin.f32 v1, s9;
	v7 =	vsel vm12, v12, v7;
	v12 =	vsub.f32 v39, v40  }
0xfc: {  	v37 =	vnsel vm11, s1, v8;
	v38 =	vnsel vm11, s10, v9;
	v6 =	vsel vm11, v41, v6  }
0xfd: {  	v8 =	vsel vm11, v42, v8;
	v9 =	vsel vm11, v43, v9;
	v44 =	vmax.f32 v12, $0.0e+00  }
0xfe: {  	v10 =	vsel vm12, v37, v10;
	v11 =	vsel vm12, v38, v11;
	vm13 =	vgt.f32 v44, v6  }
0xff: {  	vm14 =	vgt.f32 v44, v2;
	vm15 =	vgt.f32 v44, v7;
	v12 =	vsel vm13, v6, v44  }
0x100: {  	v45 =	vnsel vm13, s0, v8;
	v13 =	vnsel vm13, s11, v9;
	v46 =	vsel vm14, v2, v44  }
0x101: {  	s7 =	smax.f32 s7, $0.0e+00;
	s1 =	ssub.f32 s10, s1;
	v49 =	vnsel vm14, s0, v3;
	v50 =	vnsel vm14, s11, v4;
	v2 =	vsel vm14, v44, v2  }
0x102: {  	s6 =	sadd.f32 s6, s7;
	s10 =	spop (v2sf);
	v3 =	vsel vm14, s0, v3;
	v4 =	vsel vm14, s11, v4;
	v7 =	vsel vm15, v12, v7  }
0x103: {  	s0 =	ssub.f32 s11, s0;
	s11 =	spop (v2sf);
	v11 =	vsel vm15, v13, v11;
	v12 =	vsub.f32 v47, v48;
	v13 =	vsub.f32 v55, v56  }
0x104: {  	s1 =	smax.f32 s1, $0.0e+00;
	v10 =	vsel vm15, v45, v10;
	v6 =	vsel vm13, v46, v6;
	v8 =	vsel vm13, v49, v8;
	s5 =	smax.f32 s11, $0.0e+00  }
0x105: {  	s1 =	sadd.f32 s6, s1;
	v9 =	vsel vm13, v50, v9;
	s5 =	smin.f32 s5, $1.000000000e+00;
	v51 =	vmax.f32 v12, $0.0e+00;
	v59 =	vmax.f32 v13, $0.0e+00  }
0x106: {  	s12 =	spop (v2sf);
	s0 =	smax.f32 s0, $0.0e+00;
	v24 =	vmin.f32 v1, s5;
	vm4 =	vgt.f32 v51, v2;
	vm5 =	vgt.f32 v51, v6  }
0x107: {  	s14 =	spop (v2sf);
	s0 =	sadd.f32 s1, s0;
	vm6 =	vgt.f32 v51, v7;
	v12 =	vsel vm5, v6, v51;
	v52 =	vnsel vm5, s21, v8  }
0x108: {  	s1 =	smax.f32 s10, $0.0e+00;
	s6 =	smax.f32 s14, $0.0e+00;
	v53 =	vnsel vm5, s22, v9;
	v54 =	vsel vm4, v2, v51;
	v57 =	vnsel vm4, s21, v3  }
0x109: {  	s1 =	smin.f32 s1, $1.000000000e+00;
	s6 =	smin.f32 s6, $1.000000000e+00;
	v58 =	vnsel vm4, s22, v4;
	v2 =	vsel vm4, v51, v2;
	v3 =	vsel vm4, s21, v3  }
0x10a: {  	v4 =	vsel vm4, s22, v4;
	v25 =	vmax.f32 v0, s1;
	v32 =	vmin.f32 v1, s6  }
0x10b: {  	s3 =	ssub.f32 s22, s21;
	v7 =	vsel vm6, v12, v7;
	v10 =	vsel vm6, v52, v10;
	v11 =	vsel vm6, v53, v11  }
0x10c: {  	v6 =	vsel vm5, v54, v6;
	v8 =	vsel vm5, v57, v8;
	v9 =	vsel vm5, v58, v9  }
0x10d: {  	s3 =	smax.f32 s3, $0.0e+00;
	s2 =	ssub.f32 s29, s28;
	vm7 =	vgt.f32 v59, v2;
	vm8 =	vgt.f32 v59, v6;
	vm9 =	vgt.f32 v59, v7  }
0x10e: {  	s0 =	sadd.f32 s0, s3;
	s3 =	smax.f32 s12, $0.0e+00;
	v18 =	vsel vm7, v2, v59;
	v19 =	vnsel vm7, s28, v3;
	v20 =	vnsel vm7, s29, v4  }
0x10f: {  	s13 =	ssub.f32 s9, s8;
	s3 =	smin.f32 s3, $1.000000000e+00;
	v2 =	vsel vm7, v59, v2;
	v3 =	vsel vm7, s28, v3;
	v4 =	vsel vm7, s29, v4  }
0x110: {  	s2 =	smax.f32 s2, $0.0e+00;
	v33 =	vmax.f32 v0, s3;
	v12 =	vsel vm8, v6, v59;
	v60 =	vnsel vm8, s28, v8  }
0x111: {  	s15 =	smax.f32 s13, $0.0e+00;
	s17 =	spop (v2sf);
	v61 =	vnsel vm8, s29, v9;
	v7 =	vsel vm9, v12, v7;
	v12 =	vsub.f32 v62, v63  }
0x112: {  	s0 =	sadd.f32 s0, s2;
	s2 =	smax.f32 s17, $0.0e+00;
	v6 =	vsel vm8, v18, v6;
	v8 =	vsel vm8, v19, v8;
	v9 =	vsel vm8, v20, v9  }
0x113: {  	s16 =	ssub.f32 s5, s1;
	s2 =	smin.f32 s2, $1.000000000e+00;
	v10 =	vsel vm9, v60, v10;
	v11 =	vsel vm9, v61, v11;
	v21 =	vmax.f32 v12, $0.0e+00  }
0x114: {  	s0 =	sadd.f32 s0, s15;
	v41 =	vmax.f32 v0, s2;
	vm10 =	vgt.f32 v21, v6;
	vm11 =	vgt.f32 v21, v2  }
0x115: {  	s18 =	spop (v2sf);
	s4 =	smax.f32 s16, $0.0e+00;
	vm12 =	vgt.f32 v21, v7;
	v12 =	vsel vm10, v6, v21;
	v22 =	vnsel vm10, s8, v8  }
0x116: {  	s0 =	sadd.f32 s0, s4;
	s4 =	smax.f32 s18, $0.0e+00;
	v13 =	vnsel vm10, s9, v9;
	v23 =	vsel vm11, v2, v21;
	v26 =	vnsel vm11, s8, v3  }
0x117: {  	s4 =	smin.f32 s4, $1.000000000e+00;
	v27 =	vnsel vm11, s9, v4;
	v3 =	vsel vm11, s8, v3;
	v2 =	vsel vm11, v21, v2  }
0x118: {  	v4 =	vsel vm11, s9, v4;
	v40 =	vmin.f32 v1, s4;
	v7 =	vsel vm12, v12, v7  }
0x119: {  	v10 =	vsel vm12, v22, v10;
	v11 =	vsel vm12, v13, v11;
	v12 =	vsub.f32 v24, v25  }
0x11a: {  	v6 =	vsel vm10, v23, v6;
	v13 =	vsub.f32 v32, v33;
	v14 =	vsub.f32 v40, v41  }
0x11b: {  	v8 =	vsel vm10, v26, v8;
	v9 =	vsel vm10, v27, v9;
	v28 =	vmax.f32 v12, $0.0e+00  }
0x11c: {  	v36 =	vmax.f32 v13, $0.0e+00;
	v44 =	vmax.f32 v14, $0.0e+00;
	vm14 =	vgt.f32 v28, v6  }
0x11d: {  	vm13 =	vgt.f32 v28, v2;
	vm15 =	vgt.f32 v28, v7;
	v12 =	vsel vm14, v6, v28  }
0x11e: {  	v29 =	vnsel vm14, s1, v8;
	v30 =	vnsel vm14, s5, v9;
	v31 =	vsel vm13, v2, v28  }
0x11f: {  	v34 =	vnsel vm13, s1, v3;
	v35 =	vnsel vm13, s5, v4;
	v2 =	vsel vm13, v28, v2  }
0x120: {  	v3 =	vsel vm13, s1, v3;
	v4 =	vsel vm13, s5, v4;
	v7 =	vsel vm15, v12, v7  }
0x121: {  	v10 =	vsel vm15, v29, v10;
	v11 =	vsel vm15, v30, v11;
	v6 =	vsel vm14, v31, v6  }
0x122: {  	s19 =	spop (v2sf);
	v8 =	vsel vm14, v34, v8;
	v9 =	vsel vm14, v35, v9;
	vm4 =	vgt.f32 v36, v2  }
0x123: {  	s20 =	ssub.f32 s6, s3;
	s1 =	smax.f32 s19, $0.0e+00;
	vm5 =	vgt.f32 v36, v6;
	vm6 =	vgt.f32 v36, v7;
	v39 =	vsel vm4, v2, v36  }
0x124: {  	s1 =	smin.f32 s1, $1.000000000e+00;
	v42 =	vnsel vm4, s3, v3;
	v3 =	vsel vm4, s3, v3;
	v43 =	vnsel vm4, s6, v4  }
0x125: {  	s21 =	spop (v2sf);
	s5 =	smax.f32 s20, $0.0e+00;
	v4 =	vsel vm4, s6, v4;
	v2 =	vsel vm4, v36, v2;
	v48 =	vmax.f32 v0, s1  }
0x126: {  	s5 =	sadd.f32 s0, s5;
	s0 =	smax.f32 s21, $0.0e+00;
	v12 =	vsel vm5, v6, v36;
	v37 =	vnsel vm5, s3, v8;
	v38 =	vnsel vm5, s6, v9  }
0x127: {  	s0 =	smin.f32 s0, $1.000000000e+00;
	v6 =	vsel vm5, v39, v6;
	v8 =	vsel vm5, v42, v8;
	v9 =	vsel vm5, v43, v9  }
0x128: {  	s22 =	ssub.f32 s4, s2;
	vm8 =	vgt.f32 v44, v2;
	v47 =	vmin.f32 v1, s0;
	v7 =	vsel vm6, v12, v7  }
0x129: {  	v10 =	vsel vm6, v37, v10;
	v11 =	vsel vm6, v38, v11;
	vm7 =	vgt.f32 v44, v6  }
0x12a: {  	s3 =	smax.f32 s22, $0.0e+00;
	s23 =	ssub.f32 s0, s1;
	v14 =	vsub.f32 v47, v48;
	v49 =	vnsel vm8, s2, v3;
	v3 =	vsel vm8, s2, v3  }
0x12b: {  	s3 =	sadd.f32 s5, s3;
	v52 =	vsel vm8, v2, v44;
	v2 =	vsel vm8, v44, v2;
	v54 =	vnsel vm8, s4, v4  }
0x12c: {  	v4 =	vsel vm8, s4, v4;
	vm9 =	vgt.f32 v44, v7;
	v45 =	vsel vm7, v6, v44;
	s24 =	smax.f32 s23, $0.0e+00  }
0x12d: {  	v46 =	vnsel vm7, s2, v8;
	v51 =	vnsel vm7, s4, v9;
	v6 =	vsel vm7, v52, v6;
	s3 =	sadd.f32 s3, s24  }
0x12e: {  	v8 =	vsel vm7, v49, v8;
	v9 =	vsel vm7, v54, v9;
	v5 =	vsel vm9, v45, v7  }
0x12f: {  	v50 =	vsel vm9, v46, v10;
	v53 =	vmax.f32 v14, $0.0e+00;
	v10 =	vsel vm9, v51, v11;
	p0 =	sgt.f32 s3, $0.0e+00  }
0x130: {  	s2 =	rddreg [dreg:$0x3];
	vm10 =	vgt.f32 v53, v2;
	vm12 =	vgt.f32 v53, v6;
	vm13 =	vgt.f32 v53, v5  }
0x131: {  	v55 =	vsel vm10, v53, v2;
	v14 =	vsel vm12, v6, v53;
	v57 =	vsel vm10, s1, v3;
	s2 =	simm.s32 @!p0 $0x0  }
0x132: {  	v2 =	vsel vm10, v2, v53;
	vm11 =	vgt.f32 v55, $0.0e+00;
	v56 =	vmov s2  }
0x133: {  	v58 =	vsel vm10, s0, v4;
	v15 =	vmul.f32 s2, v57;
	v12 =	vnsel vm11, $0x0, v56  }
0x134: {  	v3 =	vnsel vm10, s1, v3;
	v2 =	vsel vm12, v2, v6;
	v59 =	vmul.f32 s2, v58;
	[tilespmem:$0x80] =	vst v12  }
0x135: {  	v4 =	vnsel vm10, s0, v4;
	v3 =	vsel vm12, v3, v8;
	vm14 =	vgt.f32 v2, $0.0e+00;
	[tilespmem:$0x200] =	vst v15  }
0x136: {  	v2 =	vsel vm12, v4, v9;
	v3 =	vmul.f32 s2, v3;
	v60 =	vnsel vm14, $0x0, v56;
	[tilespmem:$0x380] =	vst v59  }
0x137: {  	v61 =	vnsel vm12, s1, v8;
	v5 =	vsel vm13, v14, v5;
	v2 =	vmul.f32 s2, v2;
	[tilespmem:$0x100] =	vst v60  }
0x138: {  	s25 =	rddreg [dreg:$0x4];
	v63 =	vnsel vm12, s0, v9;
	v62 =	vsel vm13, v61, v50;
	vm15 =	vgt.f32 v5, $0.0e+00;
	[tilespmem:$0x280] =	vst v3  }
0x139: {  	s26 =	rddreg [dreg:$0x5];
	v4 =	vmul.f32 s2, v62;
	v3 =	vsel vm13, v63, v10;
	[tilespmem:$0x400] =	vst v2;
	v2 =	vnsel vm15, $0x0, v56  }
0x13a: {  	s30 =	rddreg [dreg:$0x8];
	[tilespmem:$0x180] =	vst v2;
	v2 =	vmul.f32 s2, v3  }
0x13b: {  	s28 =	rddreg [dreg:$0x6];
	p0 =	sne.s32 s30, $0x1;
	[tilespmem:$0x300] =	vst v4  }
.Ltmp0:
0x13c: {  	s31 =	simm.s32 $0x1;
	s29 =	rddreg [dreg:$0x7];
	[tilespmem:$0x880] =	vst v2;
	(pc) =	sbr.rel @p0 .LBB2_1-.Ltmp0, $4  }
0x13d: {  	[hbm4b:s25+s29] =	stream.strided.scatter [tilespmem:s26], [sflag:$0x1], $0x1000, s28, s29, $0x38;
	[tilespmem:$0x1080] =	vst v63  }
0x13e: {  	_ =	swait.ge [sflag:s31], $0x1000  }
0x13f: {  	[sflag:s31] =	ssyncset.done $0x0  }
0x140: {  	s2 =	sadd.s32 $0xFFFFFFFF, s30;
	[sflag:s31] =	ssyncadd.s32 $0xFFFFF000  }
0x141: {  	_ =	sfence.sel $0x180000  }
0x142: {  	[bflag:$0x0] =	sbarrier.arrive $0xFFFF  }
0x143: {  	_ =	strace $0x90000047  }
0x144: {  	s0 =	stileid.u32;
	[bflag:$0x2] =	sbarrier.arrive $0xFFFF  }
0x145: {  	p0 =	sne.s32 s0, $0x0;
	s0 =	rddreg [dreg:$0x1]  }
0x146: {  	s0 =	sadd.s32 @!p0 $0x100000, s0  }
0x147: {  	[sflag:s0] =	ssyncadd.tile.s32 @!p0 $0x1;
	_ =	shalt  }
.Lfunc_end2:
_tile_overlayer_lowered:
.L_overlay_start_2:
0x148: {  	(tag) =	ssettag $0x2  }
0x149: {  	s0 =	rddreg [dreg:$0x0];
	s2 =	stileid.u32  }
0x14a: {  	s1 =	rddreg [dreg:$0x1];
	p0 =	sne.s32 s2, $0x0  }
0x14b: {  	s3 =	rddreg [dreg:$0x2];
	[bflag:$0x3] =	sbarrier.arrive $0xFFFF;
	s2 =	simm.s32 @!p0 $0x1C02  }
0x14c: {  	[timem:s3], [sflag:s2] =	dma.local @!p0 [hbm:s0], s1  }
0x14d: {  	s0 =	simm.s32 @!p0 $0x2  }
0x14e: {  	_ =	swait.ge @!p0 [sflag:s0], s1  }
0x14f: {  	s1 =	ssub.s32 @!p0 $0x0, s1;
	[sflag:s0] =	ssyncset.done @!p0 $0x0  }
0x150: {  	[sflag:s0] =	ssyncadd.s32 @!p0 s1  }
0x151: {  	[bflag:$0x3] =	sbarrier.arrive $0xFFFF  }
0x152: {  	_ =	shalt  }

</sc_bundles>
